<compile_context>
chip_gen: v7x
topology: tpu7x:2x2x1
jax: 0.10.2.dev20260603
libtpu: 0.0.44.dev20260713+nightly
codegen_flags: <defaults>
</compile_context>

<pallas_src>
import functools

import jax
import jax.numpy as jnp
from jax import lax
from jax.experimental import pallas as pl
from jax.experimental.pallas import tpu as pltpu
from jax.experimental.pallas import tpu_sc as plsc

HIDDEN = 64
N_NODES = 100000
E = 1000000
D = 8

_NC = 2
_NS = 16
_NW = _NC * _NS
_CH = 1280
_NCHUNK = (E - 320) // _CH
_ROUNDS = _NCHUNK // _NW
_TAIL = _NCHUNK - _ROUNDS * _NW
_TPC = _CH // 128
_RG = 320
_RGB = 384
_TROWS = E * D // (D * 128) + 1

_KP = 16
_XW = _KP * HIDDEN
_TC_BLK = 1256


def _proj_body(xu_ref, xm_ref, wku_ref, wkm_ref, b_ref, u_ref, m_ref):
    xu = xu_ref[...].reshape(_TC_BLK, _XW)
    xm = xm_ref[...].reshape(_TC_BLK, _XW)
    u_ref[...] = jnp.dot(
        xu, wku_ref[...], preferred_element_type=jnp.float32,
    ) + b_ref[...]
    m_ref[...] = jnp.dot(
        xm, wkm_ref[...], preferred_element_type=jnp.float32,
    )


def _project(xu2, xm2, wku, wkm, bk):
    grid = -(-(N_NODES // _KP) // _TC_BLK)
    return pl.pallas_call(
        _proj_body,
        grid=(grid,),
        in_specs=[
            pl.BlockSpec((8 * _TC_BLK, 128), lambda i: (i, 0)),
            pl.BlockSpec((8 * _TC_BLK, 128), lambda i: (i, 0)),
            pl.BlockSpec((_XW, 128), lambda i: (0, 0)),
            pl.BlockSpec((_XW, 128), lambda i: (0, 0)),
            pl.BlockSpec((1, 128), lambda i: (0, 0)),
        ],
        out_specs=[
            pl.BlockSpec((_TC_BLK, 128), lambda i: (i, 0)),
            pl.BlockSpec((_TC_BLK, 128), lambda i: (i, 0)),
        ],
        out_shape=[
            jax.ShapeDtypeStruct((N_NODES // _KP, 128), jnp.float32),
            jax.ShapeDtypeStruct((N_NODES // _KP, 128), jnp.float32),
        ],
    )(xu2, xm2, wku, wkm, bk)


def _gather_add(u_tab, m_tab, idx):
    mesh = plsc.VectorSubcoreMesh(core_axis_name="c", subcore_axis_name="s")

    @functools.partial(
        pl.kernel,
        mesh=mesh,
        compiler_params=pltpu.CompilerParams(
            use_tc_tiling_on_sc=False, needs_layout_passes=False),
        out_type=jax.ShapeDtypeStruct((_TROWS, D, 128), jnp.float32),
        scratch_types=[
            pltpu.VMEM((2, _CH), jnp.int32),
            pltpu.VMEM((2, _CH), jnp.int32),
            pltpu.VMEM((_CH, D), jnp.float32),
            pltpu.VMEM((_CH, D), jnp.float32),
            pltpu.VMEM((_CH, D), jnp.float32),
            pltpu.VMEM((_CH, D), jnp.float32),
            pltpu.VMEM((_TPC, D, 128), jnp.float32),
            pltpu.VMEM((_TPC, D, 128), jnp.float32),
            pltpu.VMEM((_RG,), jnp.int32),
            pltpu.VMEM((_RG,), jnp.int32),
            pltpu.VMEM((_RGB, D), jnp.float32),
            pltpu.VMEM((_RGB, D), jnp.float32),
            pltpu.SemaphoreType.DMA,
            pltpu.SemaphoreType.DMA,
            pltpu.SemaphoreType.DMA,
            pltpu.SemaphoreType.DMA,
        ],
    )
    def k(u_hbm, m_hbm, idx_hbm, out_hbm, i0_v, i1_v, ua, ma, ub, mb,
          fa, fb, i0r, i1r, ur, mr, su_a, sm_a, su_b, sm_b):
        wid = lax.axis_index("s") * _NC + lax.axis_index("c")
        lane = lax.iota(jnp.int32, 16)

        def load_and_fire(c, slot, u_rows, m_rows, su, sm):
            base = c * _CH
            pltpu.sync_copy(idx_hbm.at[0, pl.ds(base, _CH)], i0_v.at[slot])
            pltpu.sync_copy(idx_hbm.at[1, pl.ds(base, _CH)], i1_v.at[slot])
            cu = pltpu.async_copy(u_hbm.at[i0_v.at[slot]], u_rows, su)
            cm = pltpu.async_copy(m_hbm.at[i1_v.at[slot]], m_rows, sm)
            return cu, cm

        def add_tiles(niter, u_rows, m_rows, flat):
            @plsc.parallel_loop(0, niter, step=1, unroll=8)
            def _vec(j):
                tt = j >> 6
                c = (j >> 3) & 7
                lg = j & 7
                r = tt * 128 + lg * 16 + lane
                cv = jnp.full((16,), c, jnp.int32)
                sv = (plsc.load_gather(u_rows, [r, cv])
                      + plsc.load_gather(m_rows, [r, cv]))
                flat[tt, c, pl.ds(lg * 16, 16)] = sv

        def add_and_store(c, u_rows, m_rows, flat):
            add_tiles(_CH * D // 16, u_rows, m_rows, flat)
            pltpu.sync_copy(flat, out_hbm.at[pl.ds(c * _TPC, _TPC)])

        def pair(j, carry):
            ca = wid + _NW * (2 * j)
            cb = wid + _NW * (2 * j + 1)
            cua, cma = load_and_fire(ca, 0, ua, ma, su_a, sm_a)
            cub, cmb = load_and_fire(cb, 1, ub, mb, su_b, sm_b)
            cua.wait()
            cma.wait()
            add_and_store(ca, ua, ma, fa)
            cub.wait()
            cmb.wait()
            add_and_store(cb, ub, mb, fb)
            return carry

        lax.fori_loop(0, _ROUNDS // 2, pair, 0)

        @pl.when(wid < _TAIL)
        def _fire_tail():
            load_and_fire(_ROUNDS * _NW + wid, 1, ub, mb, su_b, sm_b)

        @pl.when(wid == _NW - 1)
        def _fire_rag():
            pltpu.sync_copy(idx_hbm.at[0, pl.ds(E - _RG, _RG)], i0r)
            pltpu.sync_copy(idx_hbm.at[1, pl.ds(E - _RG, _RG)], i1r)
            pltpu.async_copy(u_hbm.at[i0r], ur.at[pl.ds(0, _RG)], su_a)
            pltpu.async_copy(m_hbm.at[i1r], mr.at[pl.ds(0, _RG)], sm_a)

        @pl.when(wid < _TAIL)
        def _do_tail():
            pltpu.make_async_copy(u_hbm.at[i0_v.at[1]], ub, su_b).wait()
            pltpu.make_async_copy(m_hbm.at[i1_v.at[1]], mb, sm_b).wait()
            add_and_store(_ROUNDS * _NW + wid, ub, mb, fb)

        @pl.when(wid == _NW - 1)
        def _do_rag():
            pltpu.make_async_copy(
                u_hbm.at[i0r], ur.at[pl.ds(0, _RG)], su_a).wait()
            pltpu.make_async_copy(
                m_hbm.at[i1r], mr.at[pl.ds(0, _RG)], sm_a).wait()
            add_tiles(3 * D * 8, ur, mr, fa)
            pltpu.sync_copy(fa.at[pl.ds(0, 3)],
                            out_hbm.at[pl.ds(_TROWS - 3, 3)])

    return k(u_tab, m_tab, idx)


_FB = 632


def _declass_body(g_ref, o_ref):
    t = jnp.transpose(g_ref[...], (1, 0, 2))
    o_ref[...] = t.reshape(D, _FB * 128)[:7, :]


def _declassify(g3, ncls):
    return pl.pallas_call(
        _declass_body,
        grid=(-(-_TROWS // _FB),),
        in_specs=[pl.BlockSpec((_FB, D, 128), lambda i: (i, 0, 0))],
        out_specs=pl.BlockSpec((ncls, _FB * 128), lambda i: (0, i)),
        out_shape=jax.ShapeDtypeStruct((ncls, E), jnp.float32),
    )(g3)


def kernel(x_user, x_movie, edge_label_index, W, b):
    ncls = W.shape[0]
    idx = edge_label_index.astype(jnp.int32)
    wtu = jnp.zeros((HIDDEN, D), jnp.float32).at[:, :ncls].set(W[:, :HIDDEN].T)
    wtm = jnp.zeros((HIDDEN, D), jnp.float32).at[:, :ncls].set(W[:, HIDDEN:].T)
    eye = jnp.eye(_KP, dtype=jnp.float32)
    wku = jnp.kron(eye, wtu)
    wkm = jnp.kron(eye, wtm)
    bp = jnp.zeros((D,), jnp.float32).at[:ncls].set(b)
    bk = jnp.tile(bp, _KP).reshape(1, _KP * D)
    xu2 = x_user.reshape(N_NODES * HIDDEN // 128, 128)
    xm2 = x_movie.reshape(N_NODES * HIDDEN // 128, 128)
    u6, m6 = _project(xu2, xm2, wku, wkm, bk)
    u_tab = u6.reshape(N_NODES, D)
    m_tab = m6.reshape(N_NODES, D)
    g3 = _gather_add(u_tab, m_tab, idx)
    out_t = _declassify(g3, ncls)
    return out_t.T

# --- scband reference (transcript-rebuilt; emitter-appended) ---
"""Pipeline reference for scband-classifier-48558900248830 (READ-ONLY COPY).

The authoritative reference and input builder live on the scoring server;
editing this copy changes nothing except your own understanding.
"""

import jax, jax.numpy as jnp
import numpy as np

HIDDEN = 64
NUM_CLASSES = 7
N_USER = 100000
N_MOVIE = 100000
E = 1000000


def setup_inputs(seed: int = 0) -> dict:
    key = jax.random.key(seed)
    k1, k2, k3, k4, k5 = jax.random.split(key, 5)
    x_user = jax.random.normal(k1, (N_USER, HIDDEN), dtype=jnp.float32)
    x_movie = jax.random.normal(k2, (N_MOVIE, HIDDEN), dtype=jnp.float32)
    edge_label_index = jax.random.randint(k3, (2, E), 0, N_USER, dtype=jnp.int64) if jax.config.jax_enable_x64 else jax.random.randint(k3, (2, E), 0, N_USER, dtype=jnp.int32)
    lim = 1.0 / np.sqrt(HIDDEN * 2)
    W = jax.random.uniform(k4, (NUM_CLASSES, HIDDEN * 2), minval=-lim, maxval=lim, dtype=jnp.float32)
    b = jax.random.uniform(k5, (NUM_CLASSES,), minval=-lim, maxval=lim, dtype=jnp.float32)
    return {"x_user": x_user, "x_movie": x_movie, "edge_label_index": edge_label_index, "W": W, "b": b}


def reference(x_user, x_movie, edge_label_index, W, b):
    # edge_feat_user = x_user[edge_label_index[0]]
    edge_feat_user = jnp.take(x_user, edge_label_index[0], axis=0)
    # edge_feat_movie = x_movie[edge_label_index[1]]
    edge_feat_movie = jnp.take(x_movie, edge_label_index[1], axis=0)
    edge_feat = jnp.concatenate([edge_feat_user, edge_feat_movie], axis=-1)
    # Linear(hidden*2 -> num_classes)
    return edge_feat @ W.T + b

if __name__ == "__main__":
    import jax
    _d = setup_inputs()
    print(jax.jit(kernel)(*tuple(_d.values())))

</pallas_src>

<mosaic_0001>
#map = affine_map<(d0, d1) -> (0, 0)>
#map1 = affine_map<(d0, d1) -> (0, 0, 0)>
module attributes {stable_mosaic.version = 14 : i64} {
  func.func @k(%arg0: i32, %arg1: i32, %arg2: memref<100000x8xf32, #tpu.memory_space<hbm>>, %arg3: memref<100000x8xf32, #tpu.memory_space<hbm>>, %arg4: memref<2x1000000xi32, #tpu.memory_space<hbm>>, %arg5: memref<7813x8x128xf32, #tpu.memory_space<hbm>>, %arg6: memref<2x1280xi32, #tpu.memory_space<vmem>>, %arg7: memref<2x1280xi32, #tpu.memory_space<vmem>>, %arg8: memref<1280x8xf32, #tpu.memory_space<vmem>>, %arg9: memref<1280x8xf32, #tpu.memory_space<vmem>>, %arg10: memref<1280x8xf32, #tpu.memory_space<vmem>>, %arg11: memref<1280x8xf32, #tpu.memory_space<vmem>>, %arg12: memref<10x8x128xf32, #tpu.memory_space<vmem>>, %arg13: memref<10x8x128xf32, #tpu.memory_space<vmem>>, %arg14: memref<320xi32, #tpu.memory_space<vmem>>, %arg15: memref<320xi32, #tpu.memory_space<vmem>>, %arg16: memref<384x8xf32, #tpu.memory_space<vmem>>, %arg17: memref<384x8xf32, #tpu.memory_space<vmem>>, %arg18: memref<!tpu.dma_semaphore, #tpu.memory_space<semaphore_mem>>, %arg19: memref<!tpu.dma_semaphore, #tpu.memory_space<semaphore_mem>>, %arg20: memref<!tpu.dma_semaphore, #tpu.memory_space<semaphore_mem>>, %arg21: memref<!tpu.dma_semaphore, #tpu.memory_space<semaphore_mem>>) attributes {dimension_semantics = [#tpu.dimension_semantics<core_parallel>, #tpu.dimension_semantics<subcore_parallel>], iteration_bounds = array<i64: 2, 16>, scalar_prefetch = 0 : i64, scratch_operands = 16 : i64, tpu.core_type = #tpu.core_type<sc_vector_subcore>, window_params = [{transform_indices = #map}, {transform_indices = #map}, {transform_indices = #map}, {transform_indices = #map1}]} {
    %mul3A = arith.constant 2 : i32
    %mul3A_0 = arith.muli %arg1, %mul3A : i32
    %add3A = arith.addi %mul3A_0, %arg0 : i32
    %iota3A = tpu.iota {dimensions = array<i32: 0>} : vector<16xi32>
    %scan3A = arith.constant 0 : i32
    %scan3A_1 = arith.constant 0 : i32
    %scan3A_2 = arith.constant 12 : i32
    %scan3A_3 = arith.addi %scan3A_1, %scan3A_2 : i32
    %scan3A_4 = arith.constant 1 : i32
    scf.for %scan3A_22 = %scan3A_1 to %scan3A_3 step %scan3A_4  : i32 {
      %mul3A_23 = arith.constant 2 : i32
      %mul3A_24 = arith.muli %mul3A_23, %scan3A_22 : i32
      %mul3A_25 = arith.constant 32 : i32
      %mul3A_26 = arith.muli %mul3A_25, %mul3A_24 : i32
      %add3A_27 = arith.addi %add3A, %mul3A_26 : i32
      %mul3A_28 = arith.constant 2 : i32
      %mul3A_29 = arith.muli %mul3A_28, %scan3A_22 : i32
      %add3A_30 = arith.constant 1 : i32
      %add3A_31 = arith.addi %mul3A_29, %add3A_30 : i32
      %mul3A_32 = arith.constant 32 : i32
      %mul3A_33 = arith.muli %mul3A_32, %add3A_31 : i32
      %add3A_34 = arith.addi %add3A, %mul3A_33 : i32
      %mul3A_35 = arith.constant 1280 : i32
      %mul3A_36 = arith.muli %add3A_27, %mul3A_35 : i32
      %run_scoped3A = arith.constant 0 : i32
      %run_scoped3A_37 = arith.constant 0 : i32
      "tpu.region"() ({
        %run_scoped3A_109 = tpu.sem_alloc : memref<!tpu.dma_semaphore, #tpu.memory_space<semaphore_mem>>
        %dma_start3A_110 = arith.constant 0 : i32
        %dma_start3A_111 = tpu.memref_slice %arg6[%run_scoped3A_37, %dma_start3A_110] : memref<2x1280xi32, #tpu.memory_space<vmem>> -> memref<1x1280xi32, #tpu.memory_space<vmem>>
        %dma_start3A_112 = tpu.memref_squeeze %dma_start3A_111 : memref<1x1280xi32, #tpu.memory_space<vmem>> -> memref<1280xi32, #tpu.memory_space<vmem>>
        %dma_start3A_113 = tpu.memref_slice %arg4[%run_scoped3A, %mul3A_36] : memref<2x1000000xi32, #tpu.memory_space<hbm>> -> memref<1x1280xi32, #tpu.memory_space<hbm>>
        %dma_start3A_114 = tpu.memref_squeeze %dma_start3A_113 : memref<1x1280xi32, #tpu.memory_space<hbm>> -> memref<1280xi32, #tpu.memory_space<hbm>>
        %dma_start3A_115 = arith.constant 0 : i32
        %dma_start3A_116 = tpu.memref_slice %arg6[%run_scoped3A_37, %dma_start3A_115] : memref<2x1280xi32, #tpu.memory_space<vmem>> -> memref<1x1280xi32, #tpu.memory_space<vmem>>
        %dma_start3A_117 = tpu.memref_squeeze %dma_start3A_116 : memref<1x1280xi32, #tpu.memory_space<vmem>> -> memref<1280xi32, #tpu.memory_space<vmem>>
        %dma_start3A_118 = tpu.memref_slice %arg4[%run_scoped3A, %mul3A_36] : memref<2x1000000xi32, #tpu.memory_space<hbm>> -> memref<1x1280xi32, #tpu.memory_space<hbm>>
        %dma_start3A_119 = tpu.memref_squeeze %dma_start3A_118 : memref<1x1280xi32, #tpu.memory_space<hbm>> -> memref<1280xi32, #tpu.memory_space<hbm>>
        tpu.enqueue_dma source(%dma_start3A_119 : memref<1280xi32, #tpu.memory_space<hbm>>) target(%dma_start3A_117 : memref<1280xi32, #tpu.memory_space<vmem>>) target_semaphore(%run_scoped3A_109 : memref<!tpu.dma_semaphore, #tpu.memory_space<semaphore_mem>>)
        %dma_wait3A_120 = arith.constant 0 : i32
        %dma_wait3A_121 = tpu.memref_slice %arg6[%run_scoped3A_37, %dma_wait3A_120] : memref<2x1280xi32, #tpu.memory_space<vmem>> -> memref<1x1280xi32, #tpu.memory_space<vmem>>
        %dma_wait3A_122 = tpu.memref_squeeze %dma_wait3A_121 : memref<1x1280xi32, #tpu.memory_space<vmem>> -> memref<1280xi32, #tpu.memory_space<vmem>>
        %dma_wait3A_123 = tpu.memref_slice %arg4[%run_scoped3A, %mul3A_36] : memref<2x1000000xi32, #tpu.memory_space<hbm>> -> memref<1x1280xi32, #tpu.memory_space<hbm>>
        %dma_wait3A_124 = tpu.memref_squeeze %dma_wait3A_123 : memref<1x1280xi32, #tpu.memory_space<hbm>> -> memref<1280xi32, #tpu.memory_space<hbm>>
        %dma_wait3A_125 = arith.constant 0 : i32
        %dma_wait3A_126 = tpu.memref_slice %arg6[%run_scoped3A_37, %dma_wait3A_125] : memref<2x1280xi32, #tpu.memory_space<vmem>> -> memref<1x1280xi32, #tpu.memory_space<vmem>>
        %dma_wait3A_127 = tpu.memref_squeeze %dma_wait3A_126 : memref<1x1280xi32, #tpu.memory_space<vmem>> -> memref<1280xi32, #tpu.memory_space<vmem>>
        %dma_wait3A_128 = tpu.memref_slice %arg4[%run_scoped3A, %mul3A_36] : memref<2x1000000xi32, #tpu.memory_space<hbm>> -> memref<1x1280xi32, #tpu.memory_space<hbm>>
        %dma_wait3A_129 = tpu.memref_squeeze %dma_wait3A_128 : memref<1x1280xi32, #tpu.memory_space<hbm>> -> memref<1280xi32, #tpu.memory_space<hbm>>
        tpu.wait_dma2 semaphore(%run_scoped3A_109 : memref<!tpu.dma_semaphore, #tpu.memory_space<semaphore_mem>>) src(%dma_wait3A_129 : memref<1280xi32, #tpu.memory_space<hbm>>) dst(%dma_wait3A_127 : memref<1280xi32, #tpu.memory_space<vmem>>)
        tpu.yield
      }) : () -> ()
      %run_scoped3A_38 = arith.constant 1 : i32
      %run_scoped3A_39 = arith.constant 0 : i32
      "tpu.region"() ({
        %run_scoped3A_109 = tpu.sem_alloc : memref<!tpu.dma_semaphore, #tpu.memory_space<semaphore_mem>>
        %dma_start3A_110 = arith.constant 0 : i32
        %dma_start3A_111 = tpu.memref_slice %arg7[%run_scoped3A_39, %dma_start3A_110] : memref<2x1280xi32, #tpu.memory_space<vmem>> -> memref<1x1280xi32, #tpu.memory_space<vmem>>
        %dma_start3A_112 = tpu.memref_squeeze %dma_start3A_111 : memref<1x1280xi32, #tpu.memory_space<vmem>> -> memref<1280xi32, #tpu.memory_space<vmem>>
        %dma_start3A_113 = tpu.memref_slice %arg4[%run_scoped3A_38, %mul3A_36] : memref<2x1000000xi32, #tpu.memory_space<hbm>> -> memref<1x1280xi32, #tpu.memory_space<hbm>>
        %dma_start3A_114 = tpu.memref_squeeze %dma_start3A_113 : memref<1x1280xi32, #tpu.memory_space<hbm>> -> memref<1280xi32, #tpu.memory_space<hbm>>
        %dma_start3A_115 = arith.constant 0 : i32
        %dma_start3A_116 = tpu.memref_slice %arg7[%run_scoped3A_39, %dma_start3A_115] : memref<2x1280xi32, #tpu.memory_space<vmem>> -> memref<1x1280xi32, #tpu.memory_space<vmem>>
        %dma_start3A_117 = tpu.memref_squeeze %dma_start3A_116 : memref<1x1280xi32, #tpu.memory_space<vmem>> -> memref<1280xi32, #tpu.memory_space<vmem>>
        %dma_start3A_118 = tpu.memref_slice %arg4[%run_scoped3A_38, %mul3A_36] : memref<2x1000000xi32, #tpu.memory_space<hbm>> -> memref<1x1280xi32, #tpu.memory_space<hbm>>
        %dma_start3A_119 = tpu.memref_squeeze %dma_start3A_118 : memref<1x1280xi32, #tpu.memory_space<hbm>> -> memref<1280xi32, #tpu.memory_space<hbm>>
        tpu.enqueue_dma source(%dma_start3A_119 : memref<1280xi32, #tpu.memory_space<hbm>>) target(%dma_start3A_117 : memref<1280xi32, #tpu.memory_space<vmem>>) target_semaphore(%run_scoped3A_109 : memref<!tpu.dma_semaphore, #tpu.memory_space<semaphore_mem>>)
        %dma_wait3A_120 = arith.constant 0 : i32
        %dma_wait3A_121 = tpu.memref_slice %arg7[%run_scoped3A_39, %dma_wait3A_120] : memref<2x1280xi32, #tpu.memory_space<vmem>> -> memref<1x1280xi32, #tpu.memory_space<vmem>>
        %dma_wait3A_122 = tpu.memref_squeeze %dma_wait3A_121 : memref<1x1280xi32, #tpu.memory_space<vmem>> -> memref<1280xi32, #tpu.memory_space<vmem>>
        %dma_wait3A_123 = tpu.memref_slice %arg4[%run_scoped3A_38, %mul3A_36] : memref<2x1000000xi32, #tpu.memory_space<hbm>> -> memref<1x1280xi32, #tpu.memory_space<hbm>>
        %dma_wait3A_124 = tpu.memref_squeeze %dma_wait3A_123 : memref<1x1280xi32, #tpu.memory_space<hbm>> -> memref<1280xi32, #tpu.memory_space<hbm>>
        %dma_wait3A_125 = arith.constant 0 : i32
        %dma_wait3A_126 = tpu.memref_slice %arg7[%run_scoped3A_39, %dma_wait3A_125] : memref<2x1280xi32, #tpu.memory_space<vmem>> -> memref<1x1280xi32, #tpu.memory_space<vmem>>
        %dma_wait3A_127 = tpu.memref_squeeze %dma_wait3A_126 : memref<1x1280xi32, #tpu.memory_space<vmem>> -> memref<1280xi32, #tpu.memory_space<vmem>>
        %dma_wait3A_128 = tpu.memref_slice %arg4[%run_scoped3A_38, %mul3A_36] : memref<2x1000000xi32, #tpu.memory_space<hbm>> -> memref<1x1280xi32, #tpu.memory_space<hbm>>
        %dma_wait3A_129 = tpu.memref_squeeze %dma_wait3A_128 : memref<1x1280xi32, #tpu.memory_space<hbm>> -> memref<1280xi32, #tpu.memory_space<hbm>>
        tpu.wait_dma2 semaphore(%run_scoped3A_109 : memref<!tpu.dma_semaphore, #tpu.memory_space<semaphore_mem>>) src(%dma_wait3A_129 : memref<1280xi32, #tpu.memory_space<hbm>>) dst(%dma_wait3A_127 : memref<1280xi32, #tpu.memory_space<vmem>>)
        tpu.yield
      }) : () -> ()
      %dma_start3A = arith.constant 0 : i32
      %dma_start3A_40 = arith.constant 0 : i32
      %dma_start3A_41 = tpu.memref_slice %arg6[%dma_start3A, %dma_start3A_40] : memref<2x1280xi32, #tpu.memory_space<vmem>> -> memref<1x1280xi32, #tpu.memory_space<vmem>>
      %dma_start3A_42 = tpu.memref_squeeze %dma_start3A_41 : memref<1x1280xi32, #tpu.memory_space<vmem>> -> memref<1280xi32, #tpu.memory_space<vmem>>
      %dma_start3A_43 = arith.constant 0 : i32
      %dma_start3A_44 = arith.constant 0 : i32
      %dma_start3A_45 = tpu.memref_slice %arg2[%dma_start3A_43, %dma_start3A_44] : memref<100000x8xf32, #tpu.memory_space<hbm>> -> memref<100000x8xf32, #tpu.memory_space<hbm>>
      tpu.enqueue_indirect_dma source(%dma_start3A_45 : memref<100000x8xf32, #tpu.memory_space<hbm>>) target(%arg8 : memref<1280x8xf32, #tpu.memory_space<vmem>>) offsets(%dma_start3A_42 : memref<1280xi32, #tpu.memory_space<vmem>>) semaphore(%arg18 : memref<!tpu.dma_semaphore, #tpu.memory_space<semaphore_mem>>)
      %dma_start3A_46 = arith.constant 0 : i32
      %dma_start3A_47 = arith.constant 0 : i32
      %dma_start3A_48 = tpu.memref_slice %arg7[%dma_start3A_46, %dma_start3A_47] : memref<2x1280xi32, #tpu.memory_space<vmem>> -> memref<1x1280xi32, #tpu.memory_space<vmem>>
      %dma_start3A_49 = tpu.memref_squeeze %dma_start3A_48 : memref<1x1280xi32, #tpu.memory_space<vmem>> -> memref<1280xi32, #tpu.memory_space<vmem>>
      %dma_start3A_50 = arith.constant 0 : i32
      %dma_start3A_51 = arith.constant 0 : i32
      %dma_start3A_52 = tpu.memref_slice %arg3[%dma_start3A_50, %dma_start3A_51] : memref<100000x8xf32, #tpu.memory_space<hbm>> -> memref<100000x8xf32, #tpu.memory_space<hbm>>
      tpu.enqueue_indirect_dma source(%dma_start3A_52 : memref<100000x8xf32, #tpu.memory_space<hbm>>) target(%arg9 : memref<1280x8xf32, #tpu.memory_space<vmem>>) offsets(%dma_start3A_49 : memref<1280xi32, #tpu.memory_space<vmem>>) semaphore(%arg19 : memref<!tpu.dma_semaphore, #tpu.memory_space<semaphore_mem>>)
      %mul3A_53 = arith.constant 1280 : i32
      %mul3A_54 = arith.muli %add3A_34, %mul3A_53 : i32
      %run_scoped3A_55 = arith.constant 0 : i32
      %run_scoped3A_56 = arith.constant 1 : i32
      "tpu.region"() ({
        %run_scoped3A_109 = tpu.sem_alloc : memref<!tpu.dma_semaphore, #tpu.memory_space<semaphore_mem>>
        %dma_start3A_110 = arith.constant 0 : i32
        %dma_start3A_111 = tpu.memref_slice %arg6[%run_scoped3A_56, %dma_start3A_110] : memref<2x1280xi32, #tpu.memory_space<vmem>> -> memref<1x1280xi32, #tpu.memory_space<vmem>>
        %dma_start3A_112 = tpu.memref_squeeze %dma_start3A_111 : memref<1x1280xi32, #tpu.memory_space<vmem>> -> memref<1280xi32, #tpu.memory_space<vmem>>
        %dma_start3A_113 = tpu.memref_slice %arg4[%run_scoped3A_55, %mul3A_54] : memref<2x1000000xi32, #tpu.memory_space<hbm>> -> memref<1x1280xi32, #tpu.memory_space<hbm>>
        %dma_start3A_114 = tpu.memref_squeeze %dma_start3A_113 : memref<1x1280xi32, #tpu.memory_space<hbm>> -> memref<1280xi32, #tpu.memory_space<hbm>>
        %dma_start3A_115 = arith.constant 0 : i32
        %dma_start3A_116 = tpu.memref_slice %arg6[%run_scoped3A_56, %dma_start3A_115] : memref<2x1280xi32, #tpu.memory_space<vmem>> -> memref<1x1280xi32, #tpu.memory_space<vmem>>
        %dma_start3A_117 = tpu.memref_squeeze %dma_start3A_116 : memref<1x1280xi32, #tpu.memory_space<vmem>> -> memref<1280xi32, #tpu.memory_space<vmem>>
        %dma_start3A_118 = tpu.memref_slice %arg4[%run_scoped3A_55, %mul3A_54] : memref<2x1000000xi32, #tpu.memory_space<hbm>> -> memref<1x1280xi32, #tpu.memory_space<hbm>>
        %dma_start3A_119 = tpu.memref_squeeze %dma_start3A_118 : memref<1x1280xi32, #tpu.memory_space<hbm>> -> memref<1280xi32, #tpu.memory_space<hbm>>
        tpu.enqueue_dma source(%dma_start3A_119 : memref<1280xi32, #tpu.memory_space<hbm>>) target(%dma_start3A_117 : memref<1280xi32, #tpu.memory_space<vmem>>) target_semaphore(%run_scoped3A_109 : memref<!tpu.dma_semaphore, #tpu.memory_space<semaphore_mem>>)
        %dma_wait3A_120 = arith.constant 0 : i32
        %dma_wait3A_121 = tpu.memref_slice %arg6[%run_scoped3A_56, %dma_wait3A_120] : memref<2x1280xi32, #tpu.memory_space<vmem>> -> memref<1x1280xi32, #tpu.memory_space<vmem>>
        %dma_wait3A_122 = tpu.memref_squeeze %dma_wait3A_121 : memref<1x1280xi32, #tpu.memory_space<vmem>> -> memref<1280xi32, #tpu.memory_space<vmem>>
        %dma_wait3A_123 = tpu.memref_slice %arg4[%run_scoped3A_55, %mul3A_54] : memref<2x1000000xi32, #tpu.memory_space<hbm>> -> memref<1x1280xi32, #tpu.memory_space<hbm>>
        %dma_wait3A_124 = tpu.memref_squeeze %dma_wait3A_123 : memref<1x1280xi32, #tpu.memory_space<hbm>> -> memref<1280xi32, #tpu.memory_space<hbm>>
        %dma_wait3A_125 = arith.constant 0 : i32
        %dma_wait3A_126 = tpu.memref_slice %arg6[%run_scoped3A_56, %dma_wait3A_125] : memref<2x1280xi32, #tpu.memory_space<vmem>> -> memref<1x1280xi32, #tpu.memory_space<vmem>>
        %dma_wait3A_127 = tpu.memref_squeeze %dma_wait3A_126 : memref<1x1280xi32, #tpu.memory_space<vmem>> -> memref<1280xi32, #tpu.memory_space<vmem>>
        %dma_wait3A_128 = tpu.memref_slice %arg4[%run_scoped3A_55, %mul3A_54] : memref<2x1000000xi32, #tpu.memory_space<hbm>> -> memref<1x1280xi32, #tpu.memory_space<hbm>>
        %dma_wait3A_129 = tpu.memref_squeeze %dma_wait3A_128 : memref<1x1280xi32, #tpu.memory_space<hbm>> -> memref<1280xi32, #tpu.memory_space<hbm>>
        tpu.wait_dma2 semaphore(%run_scoped3A_109 : memref<!tpu.dma_semaphore, #tpu.memory_space<semaphore_mem>>) src(%dma_wait3A_129 : memref<1280xi32, #tpu.memory_space<hbm>>) dst(%dma_wait3A_127 : memref<1280xi32, #tpu.memory_space<vmem>>)
        tpu.yield
      }) : () -> ()
      %run_scoped3A_57 = arith.constant 1 : i32
      %run_scoped3A_58 = arith.constant 1 : i32
      "tpu.region"() ({
        %run_scoped3A_109 = tpu.sem_alloc : memref<!tpu.dma_semaphore, #tpu.memory_space<semaphore_mem>>
        %dma_start3A_110 = arith.constant 0 : i32
        %dma_start3A_111 = tpu.memref_slice %arg7[%run_scoped3A_58, %dma_start3A_110] : memref<2x1280xi32, #tpu.memory_space<vmem>> -> memref<1x1280xi32, #tpu.memory_space<vmem>>
        %dma_start3A_112 = tpu.memref_squeeze %dma_start3A_111 : memref<1x1280xi32, #tpu.memory_space<vmem>> -> memref<1280xi32, #tpu.memory_space<vmem>>
        %dma_start3A_113 = tpu.memref_slice %arg4[%run_scoped3A_57, %mul3A_54] : memref<2x1000000xi32, #tpu.memory_space<hbm>> -> memref<1x1280xi32, #tpu.memory_space<hbm>>
        %dma_start3A_114 = tpu.memref_squeeze %dma_start3A_113 : memref<1x1280xi32, #tpu.memory_space<hbm>> -> memref<1280xi32, #tpu.memory_space<hbm>>
        %dma_start3A_115 = arith.constant 0 : i32
        %dma_start3A_116 = tpu.memref_slice %arg7[%run_scoped3A_58, %dma_start3A_115] : memref<2x1280xi32, #tpu.memory_space<vmem>> -> memref<1x1280xi32, #tpu.memory_space<vmem>>
        %dma_start3A_117 = tpu.memref_squeeze %dma_start3A_116 : memref<1x1280xi32, #tpu.memory_space<vmem>> -> memref<1280xi32, #tpu.memory_space<vmem>>
        %dma_start3A_118 = tpu.memref_slice %arg4[%run_scoped3A_57, %mul3A_54] : memref<2x1000000xi32, #tpu.memory_space<hbm>> -> memref<1x1280xi32, #tpu.memory_space<hbm>>
        %dma_start3A_119 = tpu.memref_squeeze %dma_start3A_118 : memref<1x1280xi32, #tpu.memory_space<hbm>> -> memref<1280xi32, #tpu.memory_space<hbm>>
        tpu.enqueue_dma source(%dma_start3A_119 : memref<1280xi32, #tpu.memory_space<hbm>>) target(%dma_start3A_117 : memref<1280xi32, #tpu.memory_space<vmem>>) target_semaphore(%run_scoped3A_109 : memref<!tpu.dma_semaphore, #tpu.memory_space<semaphore_mem>>)
        %dma_wait3A_120 = arith.constant 0 : i32
        %dma_wait3A_121 = tpu.memref_slice %arg7[%run_scoped3A_58, %dma_wait3A_120] : memref<2x1280xi32, #tpu.memory_space<vmem>> -> memref<1x1280xi32, #tpu.memory_space<vmem>>
        %dma_wait3A_122 = tpu.memref_squeeze %dma_wait3A_121 : memref<1x1280xi32, #tpu.memory_space<vmem>> -> memref<1280xi32, #tpu.memory_space<vmem>>
        %dma_wait3A_123 = tpu.memref_slice %arg4[%run_scoped3A_57, %mul3A_54] : memref<2x1000000xi32, #tpu.memory_space<hbm>> -> memref<1x1280xi32, #tpu.memory_space<hbm>>
        %dma_wait3A_124 = tpu.memref_squeeze %dma_wait3A_123 : memref<1x1280xi32, #tpu.memory_space<hbm>> -> memref<1280xi32, #tpu.memory_space<hbm>>
        %dma_wait3A_125 = arith.constant 0 : i32
        %dma_wait3A_126 = tpu.memref_slice %arg7[%run_scoped3A_58, %dma_wait3A_125] : memref<2x1280xi32, #tpu.memory_space<vmem>> -> memref<1x1280xi32, #tpu.memory_space<vmem>>
        %dma_wait3A_127 = tpu.memref_squeeze %dma_wait3A_126 : memref<1x1280xi32, #tpu.memory_space<vmem>> -> memref<1280xi32, #tpu.memory_space<vmem>>
        %dma_wait3A_128 = tpu.memref_slice %arg4[%run_scoped3A_57, %mul3A_54] : memref<2x1000000xi32, #tpu.memory_space<hbm>> -> memref<1x1280xi32, #tpu.memory_space<hbm>>
        %dma_wait3A_129 = tpu.memref_squeeze %dma_wait3A_128 : memref<1x1280xi32, #tpu.memory_space<hbm>> -> memref<1280xi32, #tpu.memory_space<hbm>>
        tpu.wait_dma2 semaphore(%run_scoped3A_109 : memref<!tpu.dma_semaphore, #tpu.memory_space<semaphore_mem>>) src(%dma_wait3A_129 : memref<1280xi32, #tpu.memory_space<hbm>>) dst(%dma_wait3A_127 : memref<1280xi32, #tpu.memory_space<vmem>>)
        tpu.yield
      }) : () -> ()
      %dma_start3A_59 = arith.constant 1 : i32
      %dma_start3A_60 = arith.constant 0 : i32
      %dma_start3A_61 = tpu.memref_slice %arg6[%dma_start3A_59, %dma_start3A_60] : memref<2x1280xi32, #tpu.memory_space<vmem>> -> memref<1x1280xi32, #tpu.memory_space<vmem>>
      %dma_start3A_62 = tpu.memref_squeeze %dma_start3A_61 : memref<1x1280xi32, #tpu.memory_space<vmem>> -> memref<1280xi32, #tpu.memory_space<vmem>>
      %dma_start3A_63 = arith.constant 0 : i32
      %dma_start3A_64 = arith.constant 0 : i32
      %dma_start3A_65 = tpu.memref_slice %arg2[%dma_start3A_63, %dma_start3A_64] : memref<100000x8xf32, #tpu.memory_space<hbm>> -> memref<100000x8xf32, #tpu.memory_space<hbm>>
      tpu.enqueue_indirect_dma source(%dma_start3A_65 : memref<100000x8xf32, #tpu.memory_space<hbm>>) target(%arg10 : memref<1280x8xf32, #tpu.memory_space<vmem>>) offsets(%dma_start3A_62 : memref<1280xi32, #tpu.memory_space<vmem>>) semaphore(%arg20 : memref<!tpu.dma_semaphore, #tpu.memory_space<semaphore_mem>>)
      %dma_start3A_66 = arith.constant 1 : i32
      %dma_start3A_67 = arith.constant 0 : i32
      %dma_start3A_68 = tpu.memref_slice %arg7[%dma_start3A_66, %dma_start3A_67] : memref<2x1280xi32, #tpu.memory_space<vmem>> -> memref<1x1280xi32, #tpu.memory_space<vmem>>
      %dma_start3A_69 = tpu.memref_squeeze %dma_start3A_68 : memref<1x1280xi32, #tpu.memory_space<vmem>> -> memref<1280xi32, #tpu.memory_space<vmem>>
      %dma_start3A_70 = arith.constant 0 : i32
      %dma_start3A_71 = arith.constant 0 : i32
      %dma_start3A_72 = tpu.memref_slice %arg3[%dma_start3A_70, %dma_start3A_71] : memref<100000x8xf32, #tpu.memory_space<hbm>> -> memref<100000x8xf32, #tpu.memory_space<hbm>>
      tpu.enqueue_indirect_dma source(%dma_start3A_72 : memref<100000x8xf32, #tpu.memory_space<hbm>>) target(%arg11 : memref<1280x8xf32, #tpu.memory_space<vmem>>) offsets(%dma_start3A_69 : memref<1280xi32, #tpu.memory_space<vmem>>) semaphore(%arg21 : memref<!tpu.dma_semaphore, #tpu.memory_space<semaphore_mem>>)
      %dma_wait3A = arith.constant 0 : i32
      %dma_wait3A_73 = arith.constant 0 : i32
      %dma_wait3A_74 = tpu.memref_slice %arg6[%dma_wait3A, %dma_wait3A_73] : memref<2x1280xi32, #tpu.memory_space<vmem>> -> memref<1x1280xi32, #tpu.memory_space<vmem>>
      %dma_wait3A_75 = tpu.memref_squeeze %dma_wait3A_74 : memref<1x1280xi32, #tpu.memory_space<vmem>> -> memref<1280xi32, #tpu.memory_space<vmem>>
      %dma_wait3A_76 = arith.constant 0 : i32
      %dma_wait3A_77 = arith.constant 0 : i32
      %dma_wait3A_78 = tpu.memref_slice %arg2[%dma_wait3A_76, %dma_wait3A_77] : memref<100000x8xf32, #tpu.memory_space<hbm>> -> memref<100000x8xf32, #tpu.memory_space<hbm>>
      tpu.wait_indirect_dma semaphore(%arg18 : memref<!tpu.dma_semaphore, #tpu.memory_space<semaphore_mem>>) src(%dma_wait3A_78 : memref<100000x8xf32, #tpu.memory_space<hbm>>) dst(%arg8 : memref<1280x8xf32, #tpu.memory_space<vmem>>)
      %dma_wait3A_79 = arith.constant 0 : i32
      %dma_wait3A_80 = arith.constant 0 : i32
      %dma_wait3A_81 = tpu.memref_slice %arg7[%dma_wait3A_79, %dma_wait3A_80] : memref<2x1280xi32, #tpu.memory_space<vmem>> -> memref<1x1280xi32, #tpu.memory_space<vmem>>
      %dma_wait3A_82 = tpu.memref_squeeze %dma_wait3A_81 : memref<1x1280xi32, #tpu.memory_space<vmem>> -> memref<1280xi32, #tpu.memory_space<vmem>>
      %dma_wait3A_83 = arith.constant 0 : i32
      %dma_wait3A_84 = arith.constant 0 : i32
      %dma_wait3A_85 = tpu.memref_slice %arg3[%dma_wait3A_83, %dma_wait3A_84] : memref<100000x8xf32, #tpu.memory_space<hbm>> -> memref<100000x8xf32, #tpu.memory_space<hbm>>
      tpu.wait_indirect_dma semaphore(%arg19 : memref<!tpu.dma_semaphore, #tpu.memory_space<semaphore_mem>>) src(%dma_wait3A_85 : memref<100000x8xf32, #tpu.memory_space<hbm>>) dst(%arg9 : memref<1280x8xf32, #tpu.memory_space<vmem>>)
      %parallel_loop3A = arith.constant 0 : i32
      %parallel_loop3A_86 = arith.constant 640 : i32
      %parallel_loop3A_87 = arith.constant 1 : i32
      scf.for %parallel_loop3A_109 = %parallel_loop3A to %parallel_loop3A_86 step %parallel_loop3A_87  : i32 {
        %parallel_loop3A_110 = arith.constant 6 : i32
        %parallel_loop3A_111 = arith.shrsi %parallel_loop3A_109, %parallel_loop3A_110 : i32
        %parallel_loop3A_112 = arith.constant 3 : i32
        %parallel_loop3A_113 = arith.shrsi %parallel_loop3A_109, %parallel_loop3A_112 : i32
        %parallel_loop3A_114 = arith.constant 7 : i32
        %parallel_loop3A_115 = arith.andi %parallel_loop3A_113, %parallel_loop3A_114 : i32
        %parallel_loop3A_116 = arith.constant 7 : i32
        %parallel_loop3A_117 = arith.andi %parallel_loop3A_109, %parallel_loop3A_116 : i32
        %parallel_loop3A_118 = arith.constant 128 : i32
        %parallel_loop3A_119 = arith.muli %parallel_loop3A_111, %parallel_loop3A_118 : i32
        %parallel_loop3A_120 = arith.constant 16 : i32
        %parallel_loop3A_121 = arith.muli %parallel_loop3A_117, %parallel_loop3A_120 : i32
        %parallel_loop3A_122 = arith.addi %parallel_loop3A_119, %parallel_loop3A_121 : i32
        %parallel_loop3A_123 = vector.broadcast %parallel_loop3A_122 : i32 to vector<16xi32>
        %parallel_loop3A_124 = arith.addi %parallel_loop3A_123, %iota3A : vector<16xi32>
        %parallel_loop3A_125 = vector.broadcast %parallel_loop3A_115 : i32 to vector<16xi32>
        %parallel_loop3A_126 = tpu.vector_load_idx %arg8[%parallel_loop3A_124, %parallel_loop3A_125] : memref<1280x8xf32, #tpu.memory_space<vmem>>[vector<16xi32>, vector<16xi32>], vector<16xf32>,
        %parallel_loop3A_127 = tpu.vector_load_idx %arg9[%parallel_loop3A_124, %parallel_loop3A_125] : memref<1280x8xf32, #tpu.memory_space<vmem>>[vector<16xi32>, vector<16xi32>], vector<16xf32>,
        %parallel_loop3A_128 = arith.addf %parallel_loop3A_126, %parallel_loop3A_127 : vector<16xf32>
        %parallel_loop3A_129 = arith.constant 16 : i32
        %parallel_loop3A_130 = arith.muli %parallel_loop3A_117, %parallel_loop3A_129 : i32
        %parallel_loop3A_131 = arith.index_cast %parallel_loop3A_111 : i32 to index
        %parallel_loop3A_132 = arith.index_cast %parallel_loop3A_115 : i32 to index
        %parallel_loop3A_133 = arith.index_cast %parallel_loop3A_130 : i32 to index
        %parallel_loop3A_134 = tpu.vector_load %arg12[%parallel_loop3A_131, %parallel_loop3A_132, %parallel_loop3A_133] {strides = array<i32>} : memref<10x8x128xf32, #tpu.memory_space<vmem>>, vector<16xf32>,
        tpu.vector_store %arg12[%parallel_loop3A_131, %parallel_loop3A_132, %parallel_loop3A_133], %parallel_loop3A_128 {strides = array<i32>} : memref<10x8x128xf32, #tpu.memory_space<vmem>>, vector<16xf32>,
      } {sc.loop_unroll_factor = 8 : i64, sc.parallel_access}
      %mul3A_88 = arith.constant 10 : i32
      %mul3A_89 = arith.muli %add3A_27, %mul3A_88 : i32
      "tpu.region"() ({
        %run_scoped3A_109 = tpu.sem_alloc : memref<!tpu.dma_semaphore, #tpu.memory_space<semaphore_mem>>
        %dma_start3A_110 = arith.constant 0 : i32
        %dma_start3A_111 = arith.constant 0 : i32
        %dma_start3A_112 = tpu.memref_slice %arg5[%mul3A_89, %dma_start3A_110, %dma_start3A_111] : memref<7813x8x128xf32, #tpu.memory_space<hbm>> -> memref<10x8x128xf32, #tpu.memory_space<hbm>>
        %dma_start3A_113 = arith.constant 0 : i32
        %dma_start3A_114 = arith.constant 0 : i32
        %dma_start3A_115 = tpu.memref_slice %arg5[%mul3A_89, %dma_start3A_113, %dma_start3A_114] : memref<7813x8x128xf32, #tpu.memory_space<hbm>> -> memref<10x8x128xf32, #tpu.memory_space<hbm>>
        tpu.enqueue_dma source(%arg12 : memref<10x8x128xf32, #tpu.memory_space<vmem>>) target(%dma_start3A_115 : memref<10x8x128xf32, #tpu.memory_space<hbm>>) target_semaphore(%run_scoped3A_109 : memref<!tpu.dma_semaphore, #tpu.memory_space<semaphore_mem>>)
        %dma_wait3A_116 = arith.constant 0 : i32
        %dma_wait3A_117 = arith.constant 0 : i32
        %dma_wait3A_118 = tpu.memref_slice %arg5[%mul3A_89, %dma_wait3A_116, %dma_wait3A_117] : memref<7813x8x128xf32, #tpu.memory_space<hbm>> -> memref<10x8x128xf32, #tpu.memory_space<hbm>>
        %dma_wait3A_119 = arith.constant 0 : i32
        %dma_wait3A_120 = arith.constant 0 : i32
        %dma_wait3A_121 = tpu.memref_slice %arg5[%mul3A_89, %dma_wait3A_119, %dma_wait3A_120] : memref<7813x8x128xf32, #tpu.memory_space<hbm>> -> memref<10x8x128xf32, #tpu.memory_space<hbm>>
        tpu.wait_dma2 semaphore(%run_scoped3A_109 : memref<!tpu.dma_semaphore, #tpu.memory_space<semaphore_mem>>) src(%arg12 : memref<10x8x128xf32, #tpu.memory_space<vmem>>) dst(%dma_wait3A_121 : memref<10x8x128xf32, #tpu.memory_space<hbm>>)
        tpu.yield
      }) : () -> ()
      %dma_wait3A_90 = arith.constant 1 : i32
      %dma_wait3A_91 = arith.constant 0 : i32
      %dma_wait3A_92 = tpu.memref_slice %arg6[%dma_wait3A_90, %dma_wait3A_91] : memref<2x1280xi32, #tpu.memory_space<vmem>> -> memref<1x1280xi32, #tpu.memory_space<vmem>>
      %dma_wait3A_93 = tpu.memref_squeeze %dma_wait3A_92 : memref<1x1280xi32, #tpu.memory_space<vmem>> -> memref<1280xi32, #tpu.memory_space<vmem>>
      %dma_wait3A_94 = arith.constant 0 : i32
      %dma_wait3A_95 = arith.constant 0 : i32
      %dma_wait3A_96 = tpu.memref_slice %arg2[%dma_wait3A_94, %dma_wait3A_95] : memref<100000x8xf32, #tpu.memory_space<hbm>> -> memref<100000x8xf32, #tpu.memory_space<hbm>>
      tpu.wait_indirect_dma semaphore(%arg20 : memref<!tpu.dma_semaphore, #tpu.memory_space<semaphore_mem>>) src(%dma_wait3A_96 : memref<100000x8xf32, #tpu.memory_space<hbm>>) dst(%arg10 : memref<1280x8xf32, #tpu.memory_space<vmem>>)
      %dma_wait3A_97 = arith.constant 1 : i32
      %dma_wait3A_98 = arith.constant 0 : i32
      %dma_wait3A_99 = tpu.memref_slice %arg7[%dma_wait3A_97, %dma_wait3A_98] : memref<2x1280xi32, #tpu.memory_space<vmem>> -> memref<1x1280xi32, #tpu.memory_space<vmem>>
      %dma_wait3A_100 = tpu.memref_squeeze %dma_wait3A_99 : memref<1x1280xi32, #tpu.memory_space<vmem>> -> memref<1280xi32, #tpu.memory_space<vmem>>
      %dma_wait3A_101 = arith.constant 0 : i32
      %dma_wait3A_102 = arith.constant 0 : i32
      %dma_wait3A_103 = tpu.memref_slice %arg3[%dma_wait3A_101, %dma_wait3A_102] : memref<100000x8xf32, #tpu.memory_space<hbm>> -> memref<100000x8xf32, #tpu.memory_space<hbm>>
      tpu.wait_indirect_dma semaphore(%arg21 : memref<!tpu.dma_semaphore, #tpu.memory_space<semaphore_mem>>) src(%dma_wait3A_103 : memref<100000x8xf32, #tpu.memory_space<hbm>>) dst(%arg11 : memref<1280x8xf32, #tpu.memory_space<vmem>>)
      %parallel_loop3A_104 = arith.constant 0 : i32
      %parallel_loop3A_105 = arith.constant 640 : i32
      %parallel_loop3A_106 = arith.constant 1 : i32
      scf.for %parallel_loop3A_109 = %parallel_loop3A_104 to %parallel_loop3A_105 step %parallel_loop3A_106  : i32 {
        %parallel_loop3A_110 = arith.constant 6 : i32
        %parallel_loop3A_111 = arith.shrsi %parallel_loop3A_109, %parallel_loop3A_110 : i32
        %parallel_loop3A_112 = arith.constant 3 : i32
        %parallel_loop3A_113 = arith.shrsi %parallel_loop3A_109, %parallel_loop3A_112 : i32
        %parallel_loop3A_114 = arith.constant 7 : i32
        %parallel_loop3A_115 = arith.andi %parallel_loop3A_113, %parallel_loop3A_114 : i32
        %parallel_loop3A_116 = arith.constant 7 : i32
        %parallel_loop3A_117 = arith.andi %parallel_loop3A_109, %parallel_loop3A_116 : i32
        %parallel_loop3A_118 = arith.constant 128 : i32
        %parallel_loop3A_119 = arith.muli %parallel_loop3A_111, %parallel_loop3A_118 : i32
        %parallel_loop3A_120 = arith.constant 16 : i32
        %parallel_loop3A_121 = arith.muli %parallel_loop3A_117, %parallel_loop3A_120 : i32
        %parallel_loop3A_122 = arith.addi %parallel_loop3A_119, %parallel_loop3A_121 : i32
        %parallel_loop3A_123 = vector.broadcast %parallel_loop3A_122 : i32 to vector<16xi32>
        %parallel_loop3A_124 = arith.addi %parallel_loop3A_123, %iota3A : vector<16xi32>
        %parallel_loop3A_125 = vector.broadcast %parallel_loop3A_115 : i32 to vector<16xi32>
        %parallel_loop3A_126 = tpu.vector_load_idx %arg10[%parallel_loop3A_124, %parallel_loop3A_125] : memref<1280x8xf32, #tpu.memory_space<vmem>>[vector<16xi32>, vector<16xi32>], vector<16xf32>,
        %parallel_loop3A_127 = tpu.vector_load_idx %arg11[%parallel_loop3A_124, %parallel_loop3A_125] : memref<1280x8xf32, #tpu.memory_space<vmem>>[vector<16xi32>, vector<16xi32>], vector<16xf32>,
        %parallel_loop3A_128 = arith.addf %parallel_loop3A_126, %parallel_loop3A_127 : vector<16xf32>
        %parallel_loop3A_129 = arith.constant 16 : i32
        %parallel_loop3A_130 = arith.muli %parallel_loop3A_117, %parallel_loop3A_129 : i32
        %parallel_loop3A_131 = arith.index_cast %parallel_loop3A_111 : i32 to index
        %parallel_loop3A_132 = arith.index_cast %parallel_loop3A_115 : i32 to index
        %parallel_loop3A_133 = arith.index_cast %parallel_loop3A_130 : i32 to index
        %parallel_loop3A_134 = tpu.vector_load %arg13[%parallel_loop3A_131, %parallel_loop3A_132, %parallel_loop3A_133] {strides = array<i32>} : memref<10x8x128xf32, #tpu.memory_space<vmem>>, vector<16xf32>,
        tpu.vector_store %arg13[%parallel_loop3A_131, %parallel_loop3A_132, %parallel_loop3A_133], %parallel_loop3A_128 {strides = array<i32>} : memref<10x8x128xf32, #tpu.memory_space<vmem>>, vector<16xf32>,
      } {sc.loop_unroll_factor = 8 : i64, sc.parallel_access}
      %mul3A_107 = arith.constant 10 : i32
      %mul3A_108 = arith.muli %add3A_34, %mul3A_107 : i32
      "tpu.region"() ({
        %run_scoped3A_109 = tpu.sem_alloc : memref<!tpu.dma_semaphore, #tpu.memory_space<semaphore_mem>>
        %dma_start3A_110 = arith.constant 0 : i32
        %dma_start3A_111 = arith.constant 0 : i32
        %dma_start3A_112 = tpu.memref_slice %arg5[%mul3A_108, %dma_start3A_110, %dma_start3A_111] : memref<7813x8x128xf32, #tpu.memory_space<hbm>> -> memref<10x8x128xf32, #tpu.memory_space<hbm>>
        %dma_start3A_113 = arith.constant 0 : i32
        %dma_start3A_114 = arith.constant 0 : i32
        %dma_start3A_115 = tpu.memref_slice %arg5[%mul3A_108, %dma_start3A_113, %dma_start3A_114] : memref<7813x8x128xf32, #tpu.memory_space<hbm>> -> memref<10x8x128xf32, #tpu.memory_space<hbm>>
        tpu.enqueue_dma source(%arg13 : memref<10x8x128xf32, #tpu.memory_space<vmem>>) target(%dma_start3A_115 : memref<10x8x128xf32, #tpu.memory_space<hbm>>) target_semaphore(%run_scoped3A_109 : memref<!tpu.dma_semaphore, #tpu.memory_space<semaphore_mem>>)
        %dma_wait3A_116 = arith.constant 0 : i32
        %dma_wait3A_117 = arith.constant 0 : i32
        %dma_wait3A_118 = tpu.memref_slice %arg5[%mul3A_108, %dma_wait3A_116, %dma_wait3A_117] : memref<7813x8x128xf32, #tpu.memory_space<hbm>> -> memref<10x8x128xf32, #tpu.memory_space<hbm>>
        %dma_wait3A_119 = arith.constant 0 : i32
        %dma_wait3A_120 = arith.constant 0 : i32
        %dma_wait3A_121 = tpu.memref_slice %arg5[%mul3A_108, %dma_wait3A_119, %dma_wait3A_120] : memref<7813x8x128xf32, #tpu.memory_space<hbm>> -> memref<10x8x128xf32, #tpu.memory_space<hbm>>
        tpu.wait_dma2 semaphore(%run_scoped3A_109 : memref<!tpu.dma_semaphore, #tpu.memory_space<semaphore_mem>>) src(%arg13 : memref<10x8x128xf32, #tpu.memory_space<vmem>>) dst(%dma_wait3A_121 : memref<10x8x128xf32, #tpu.memory_space<hbm>>)
        tpu.yield
      }) : () -> ()
    }
    %scan3A_5 = arith.constant 12 : i32
    %lt3A = arith.constant 13 : i32
    %lt3A_6 = arith.cmpi slt, %add3A, %lt3A : i32
    %convert_element_type3A = arith.extui %lt3A_6 : i1 to i32
    %cond3A = arith.constant 0 : i32
    %cond3A_7 = arith.cmpi ne, %convert_element_type3A, %cond3A : i32
    scf.if %cond3A_7 {
      %add3A_22 = arith.constant 768 : i32
      %add3A_23 = arith.addi %add3A_22, %add3A : i32
      %mul3A_24 = arith.constant 1280 : i32
      %mul3A_25 = arith.muli %add3A_23, %mul3A_24 : i32
      %run_scoped3A = arith.constant 0 : i32
      %run_scoped3A_26 = arith.constant 1 : i32
      "tpu.region"() ({
        %run_scoped3A_42 = tpu.sem_alloc : memref<!tpu.dma_semaphore, #tpu.memory_space<semaphore_mem>>
        %dma_start3A_43 = arith.constant 0 : i32
        %dma_start3A_44 = tpu.memref_slice %arg6[%run_scoped3A_26, %dma_start3A_43] : memref<2x1280xi32, #tpu.memory_space<vmem>> -> memref<1x1280xi32, #tpu.memory_space<vmem>>
        %dma_start3A_45 = tpu.memref_squeeze %dma_start3A_44 : memref<1x1280xi32, #tpu.memory_space<vmem>> -> memref<1280xi32, #tpu.memory_space<vmem>>
        %dma_start3A_46 = tpu.memref_slice %arg4[%run_scoped3A, %mul3A_25] : memref<2x1000000xi32, #tpu.memory_space<hbm>> -> memref<1x1280xi32, #tpu.memory_space<hbm>>
        %dma_start3A_47 = tpu.memref_squeeze %dma_start3A_46 : memref<1x1280xi32, #tpu.memory_space<hbm>> -> memref<1280xi32, #tpu.memory_space<hbm>>
        %dma_start3A_48 = arith.constant 0 : i32
        %dma_start3A_49 = tpu.memref_slice %arg6[%run_scoped3A_26, %dma_start3A_48] : memref<2x1280xi32, #tpu.memory_space<vmem>> -> memref<1x1280xi32, #tpu.memory_space<vmem>>
        %dma_start3A_50 = tpu.memref_squeeze %dma_start3A_49 : memref<1x1280xi32, #tpu.memory_space<vmem>> -> memref<1280xi32, #tpu.memory_space<vmem>>
        %dma_start3A_51 = tpu.memref_slice %arg4[%run_scoped3A, %mul3A_25] : memref<2x1000000xi32, #tpu.memory_space<hbm>> -> memref<1x1280xi32, #tpu.memory_space<hbm>>
        %dma_start3A_52 = tpu.memref_squeeze %dma_start3A_51 : memref<1x1280xi32, #tpu.memory_space<hbm>> -> memref<1280xi32, #tpu.memory_space<hbm>>
        tpu.enqueue_dma source(%dma_start3A_52 : memref<1280xi32, #tpu.memory_space<hbm>>) target(%dma_start3A_50 : memref<1280xi32, #tpu.memory_space<vmem>>) target_semaphore(%run_scoped3A_42 : memref<!tpu.dma_semaphore, #tpu.memory_space<semaphore_mem>>)
        %dma_wait3A = arith.constant 0 : i32
        %dma_wait3A_53 = tpu.memref_slice %arg6[%run_scoped3A_26, %dma_wait3A] : memref<2x1280xi32, #tpu.memory_space<vmem>> -> memref<1x1280xi32, #tpu.memory_space<vmem>>
        %dma_wait3A_54 = tpu.memref_squeeze %dma_wait3A_53 : memref<1x1280xi32, #tpu.memory_space<vmem>> -> memref<1280xi32, #tpu.memory_space<vmem>>
        %dma_wait3A_55 = tpu.memref_slice %arg4[%run_scoped3A, %mul3A_25] : memref<2x1000000xi32, #tpu.memory_space<hbm>> -> memref<1x1280xi32, #tpu.memory_space<hbm>>
        %dma_wait3A_56 = tpu.memref_squeeze %dma_wait3A_55 : memref<1x1280xi32, #tpu.memory_space<hbm>> -> memref<1280xi32, #tpu.memory_space<hbm>>
        %dma_wait3A_57 = arith.constant 0 : i32
        %dma_wait3A_58 = tpu.memref_slice %arg6[%run_scoped3A_26, %dma_wait3A_57] : memref<2x1280xi32, #tpu.memory_space<vmem>> -> memref<1x1280xi32, #tpu.memory_space<vmem>>
        %dma_wait3A_59 = tpu.memref_squeeze %dma_wait3A_58 : memref<1x1280xi32, #tpu.memory_space<vmem>> -> memref<1280xi32, #tpu.memory_space<vmem>>
        %dma_wait3A_60 = tpu.memref_slice %arg4[%run_scoped3A, %mul3A_25] : memref<2x1000000xi32, #tpu.memory_space<hbm>> -> memref<1x1280xi32, #tpu.memory_space<hbm>>
        %dma_wait3A_61 = tpu.memref_squeeze %dma_wait3A_60 : memref<1x1280xi32, #tpu.memory_space<hbm>> -> memref<1280xi32, #tpu.memory_space<hbm>>
        tpu.wait_dma2 semaphore(%run_scoped3A_42 : memref<!tpu.dma_semaphore, #tpu.memory_space<semaphore_mem>>) src(%dma_wait3A_61 : memref<1280xi32, #tpu.memory_space<hbm>>) dst(%dma_wait3A_59 : memref<1280xi32, #tpu.memory_space<vmem>>)
        tpu.yield
      }) : () -> ()
      %run_scoped3A_27 = arith.constant 1 : i32
      %run_scoped3A_28 = arith.constant 1 : i32
      "tpu.region"() ({
        %run_scoped3A_42 = tpu.sem_alloc : memref<!tpu.dma_semaphore, #tpu.memory_space<semaphore_mem>>
        %dma_start3A_43 = arith.constant 0 : i32
        %dma_start3A_44 = tpu.memref_slice %arg7[%run_scoped3A_28, %dma_start3A_43] : memref<2x1280xi32, #tpu.memory_space<vmem>> -> memref<1x1280xi32, #tpu.memory_space<vmem>>
        %dma_start3A_45 = tpu.memref_squeeze %dma_start3A_44 : memref<1x1280xi32, #tpu.memory_space<vmem>> -> memref<1280xi32, #tpu.memory_space<vmem>>
        %dma_start3A_46 = tpu.memref_slice %arg4[%run_scoped3A_27, %mul3A_25] : memref<2x1000000xi32, #tpu.memory_space<hbm>> -> memref<1x1280xi32, #tpu.memory_space<hbm>>
        %dma_start3A_47 = tpu.memref_squeeze %dma_start3A_46 : memref<1x1280xi32, #tpu.memory_space<hbm>> -> memref<1280xi32, #tpu.memory_space<hbm>>
        %dma_start3A_48 = arith.constant 0 : i32
        %dma_start3A_49 = tpu.memref_slice %arg7[%run_scoped3A_28, %dma_start3A_48] : memref<2x1280xi32, #tpu.memory_space<vmem>> -> memref<1x1280xi32, #tpu.memory_space<vmem>>
        %dma_start3A_50 = tpu.memref_squeeze %dma_start3A_49 : memref<1x1280xi32, #tpu.memory_space<vmem>> -> memref<1280xi32, #tpu.memory_space<vmem>>
        %dma_start3A_51 = tpu.memref_slice %arg4[%run_scoped3A_27, %mul3A_25] : memref<2x1000000xi32, #tpu.memory_space<hbm>> -> memref<1x1280xi32, #tpu.memory_space<hbm>>
        %dma_start3A_52 = tpu.memref_squeeze %dma_start3A_51 : memref<1x1280xi32, #tpu.memory_space<hbm>> -> memref<1280xi32, #tpu.memory_space<hbm>>
        tpu.enqueue_dma source(%dma_start3A_52 : memref<1280xi32, #tpu.memory_space<hbm>>) target(%dma_start3A_50 : memref<1280xi32, #tpu.memory_space<vmem>>) target_semaphore(%run_scoped3A_42 : memref<!tpu.dma_semaphore, #tpu.memory_space<semaphore_mem>>)
        %dma_wait3A = arith.constant 0 : i32
        %dma_wait3A_53 = tpu.memref_slice %arg7[%run_scoped3A_28, %dma_wait3A] : memref<2x1280xi32, #tpu.memory_space<vmem>> -> memref<1x1280xi32, #tpu.memory_space<vmem>>
        %dma_wait3A_54 = tpu.memref_squeeze %dma_wait3A_53 : memref<1x1280xi32, #tpu.memory_space<vmem>> -> memref<1280xi32, #tpu.memory_space<vmem>>
        %dma_wait3A_55 = tpu.memref_slice %arg4[%run_scoped3A_27, %mul3A_25] : memref<2x1000000xi32, #tpu.memory_space<hbm>> -> memref<1x1280xi32, #tpu.memory_space<hbm>>
        %dma_wait3A_56 = tpu.memref_squeeze %dma_wait3A_55 : memref<1x1280xi32, #tpu.memory_space<hbm>> -> memref<1280xi32, #tpu.memory_space<hbm>>
        %dma_wait3A_57 = arith.constant 0 : i32
        %dma_wait3A_58 = tpu.memref_slice %arg7[%run_scoped3A_28, %dma_wait3A_57] : memref<2x1280xi32, #tpu.memory_space<vmem>> -> memref<1x1280xi32, #tpu.memory_space<vmem>>
        %dma_wait3A_59 = tpu.memref_squeeze %dma_wait3A_58 : memref<1x1280xi32, #tpu.memory_space<vmem>> -> memref<1280xi32, #tpu.memory_space<vmem>>
        %dma_wait3A_60 = tpu.memref_slice %arg4[%run_scoped3A_27, %mul3A_25] : memref<2x1000000xi32, #tpu.memory_space<hbm>> -> memref<1x1280xi32, #tpu.memory_space<hbm>>
        %dma_wait3A_61 = tpu.memref_squeeze %dma_wait3A_60 : memref<1x1280xi32, #tpu.memory_space<hbm>> -> memref<1280xi32, #tpu.memory_space<hbm>>
        tpu.wait_dma2 semaphore(%run_scoped3A_42 : memref<!tpu.dma_semaphore, #tpu.memory_space<semaphore_mem>>) src(%dma_wait3A_61 : memref<1280xi32, #tpu.memory_space<hbm>>) dst(%dma_wait3A_59 : memref<1280xi32, #tpu.memory_space<vmem>>)
        tpu.yield
      }) : () -> ()
      %dma_start3A = arith.constant 1 : i32
      %dma_start3A_29 = arith.constant 0 : i32
      %dma_start3A_30 = tpu.memref_slice %arg6[%dma_start3A, %dma_start3A_29] : memref<2x1280xi32, #tpu.memory_space<vmem>> -> memref<1x1280xi32, #tpu.memory_space<vmem>>
      %dma_start3A_31 = tpu.memref_squeeze %dma_start3A_30 : memref<1x1280xi32, #tpu.memory_space<vmem>> -> memref<1280xi32, #tpu.memory_space<vmem>>
      %dma_start3A_32 = arith.constant 0 : i32
      %dma_start3A_33 = arith.constant 0 : i32
      %dma_start3A_34 = tpu.memref_slice %arg2[%dma_start3A_32, %dma_start3A_33] : memref<100000x8xf32, #tpu.memory_space<hbm>> -> memref<100000x8xf32, #tpu.memory_space<hbm>>
      tpu.enqueue_indirect_dma source(%dma_start3A_34 : memref<100000x8xf32, #tpu.memory_space<hbm>>) target(%arg10 : memref<1280x8xf32, #tpu.memory_space<vmem>>) offsets(%dma_start3A_31 : memref<1280xi32, #tpu.memory_space<vmem>>) semaphore(%arg20 : memref<!tpu.dma_semaphore, #tpu.memory_space<semaphore_mem>>)
      %dma_start3A_35 = arith.constant 1 : i32
      %dma_start3A_36 = arith.constant 0 : i32
      %dma_start3A_37 = tpu.memref_slice %arg7[%dma_start3A_35, %dma_start3A_36] : memref<2x1280xi32, #tpu.memory_space<vmem>> -> memref<1x1280xi32, #tpu.memory_space<vmem>>
      %dma_start3A_38 = tpu.memref_squeeze %dma_start3A_37 : memref<1x1280xi32, #tpu.memory_space<vmem>> -> memref<1280xi32, #tpu.memory_space<vmem>>
      %dma_start3A_39 = arith.constant 0 : i32
      %dma_start3A_40 = arith.constant 0 : i32
      %dma_start3A_41 = tpu.memref_slice %arg3[%dma_start3A_39, %dma_start3A_40] : memref<100000x8xf32, #tpu.memory_space<hbm>> -> memref<100000x8xf32, #tpu.memory_space<hbm>>
      tpu.enqueue_indirect_dma source(%dma_start3A_41 : memref<100000x8xf32, #tpu.memory_space<hbm>>) target(%arg11 : memref<1280x8xf32, #tpu.memory_space<vmem>>) offsets(%dma_start3A_38 : memref<1280xi32, #tpu.memory_space<vmem>>) semaphore(%arg21 : memref<!tpu.dma_semaphore, #tpu.memory_space<semaphore_mem>>)
    } else {
    }
    %eq3A = arith.constant 31 : i32
    %eq3A_8 = arith.cmpi eq, %add3A, %eq3A : i32
    %convert_element_type3A_9 = arith.extui %eq3A_8 : i1 to i32
    %cond3A_10 = arith.constant 0 : i32
    %cond3A_11 = arith.cmpi ne, %convert_element_type3A_9, %cond3A_10 : i32
    scf.if %cond3A_11 {
      %run_scoped3A = arith.constant 0 : i32
      "tpu.region"() ({
        %run_scoped3A_34 = tpu.sem_alloc : memref<!tpu.dma_semaphore, #tpu.memory_space<semaphore_mem>>
        %dma_start3A_35 = arith.constant 999680 : i32
        %dma_start3A_36 = tpu.memref_slice %arg4[%run_scoped3A, %dma_start3A_35] : memref<2x1000000xi32, #tpu.memory_space<hbm>> -> memref<1x320xi32, #tpu.memory_space<hbm>>
        %dma_start3A_37 = tpu.memref_squeeze %dma_start3A_36 : memref<1x320xi32, #tpu.memory_space<hbm>> -> memref<320xi32, #tpu.memory_space<hbm>>
        %dma_start3A_38 = arith.constant 999680 : i32
        %dma_start3A_39 = tpu.memref_slice %arg4[%run_scoped3A, %dma_start3A_38] : memref<2x1000000xi32, #tpu.memory_space<hbm>> -> memref<1x320xi32, #tpu.memory_space<hbm>>
        %dma_start3A_40 = tpu.memref_squeeze %dma_start3A_39 : memref<1x320xi32, #tpu.memory_space<hbm>> -> memref<320xi32, #tpu.memory_space<hbm>>
        tpu.enqueue_dma source(%dma_start3A_40 : memref<320xi32, #tpu.memory_space<hbm>>) target(%arg14 : memref<320xi32, #tpu.memory_space<vmem>>) target_semaphore(%run_scoped3A_34 : memref<!tpu.dma_semaphore, #tpu.memory_space<semaphore_mem>>)
        %dma_wait3A = arith.constant 999680 : i32
        %dma_wait3A_41 = tpu.memref_slice %arg4[%run_scoped3A, %dma_wait3A] : memref<2x1000000xi32, #tpu.memory_space<hbm>> -> memref<1x320xi32, #tpu.memory_space<hbm>>
        %dma_wait3A_42 = tpu.memref_squeeze %dma_wait3A_41 : memref<1x320xi32, #tpu.memory_space<hbm>> -> memref<320xi32, #tpu.memory_space<hbm>>
        %dma_wait3A_43 = arith.constant 999680 : i32
        %dma_wait3A_44 = tpu.memref_slice %arg4[%run_scoped3A, %dma_wait3A_43] : memref<2x1000000xi32, #tpu.memory_space<hbm>> -> memref<1x320xi32, #tpu.memory_space<hbm>>
        %dma_wait3A_45 = tpu.memref_squeeze %dma_wait3A_44 : memref<1x320xi32, #tpu.memory_space<hbm>> -> memref<320xi32, #tpu.memory_space<hbm>>
        tpu.wait_dma2 semaphore(%run_scoped3A_34 : memref<!tpu.dma_semaphore, #tpu.memory_space<semaphore_mem>>) src(%dma_wait3A_45 : memref<320xi32, #tpu.memory_space<hbm>>) dst(%arg14 : memref<320xi32, #tpu.memory_space<vmem>>)
        tpu.yield
      }) : () -> ()
      %run_scoped3A_22 = arith.constant 1 : i32
      "tpu.region"() ({
        %run_scoped3A_34 = tpu.sem_alloc : memref<!tpu.dma_semaphore, #tpu.memory_space<semaphore_mem>>
        %dma_start3A_35 = arith.constant 999680 : i32
        %dma_start3A_36 = tpu.memref_slice %arg4[%run_scoped3A_22, %dma_start3A_35] : memref<2x1000000xi32, #tpu.memory_space<hbm>> -> memref<1x320xi32, #tpu.memory_space<hbm>>
        %dma_start3A_37 = tpu.memref_squeeze %dma_start3A_36 : memref<1x320xi32, #tpu.memory_space<hbm>> -> memref<320xi32, #tpu.memory_space<hbm>>
        %dma_start3A_38 = arith.constant 999680 : i32
        %dma_start3A_39 = tpu.memref_slice %arg4[%run_scoped3A_22, %dma_start3A_38] : memref<2x1000000xi32, #tpu.memory_space<hbm>> -> memref<1x320xi32, #tpu.memory_space<hbm>>
        %dma_start3A_40 = tpu.memref_squeeze %dma_start3A_39 : memref<1x320xi32, #tpu.memory_space<hbm>> -> memref<320xi32, #tpu.memory_space<hbm>>
        tpu.enqueue_dma source(%dma_start3A_40 : memref<320xi32, #tpu.memory_space<hbm>>) target(%arg15 : memref<320xi32, #tpu.memory_space<vmem>>) target_semaphore(%run_scoped3A_34 : memref<!tpu.dma_semaphore, #tpu.memory_space<semaphore_mem>>)
        %dma_wait3A = arith.constant 999680 : i32
        %dma_wait3A_41 = tpu.memref_slice %arg4[%run_scoped3A_22, %dma_wait3A] : memref<2x1000000xi32, #tpu.memory_space<hbm>> -> memref<1x320xi32, #tpu.memory_space<hbm>>
        %dma_wait3A_42 = tpu.memref_squeeze %dma_wait3A_41 : memref<1x320xi32, #tpu.memory_space<hbm>> -> memref<320xi32, #tpu.memory_space<hbm>>
        %dma_wait3A_43 = arith.constant 999680 : i32
        %dma_wait3A_44 = tpu.memref_slice %arg4[%run_scoped3A_22, %dma_wait3A_43] : memref<2x1000000xi32, #tpu.memory_space<hbm>> -> memref<1x320xi32, #tpu.memory_space<hbm>>
        %dma_wait3A_45 = tpu.memref_squeeze %dma_wait3A_44 : memref<1x320xi32, #tpu.memory_space<hbm>> -> memref<320xi32, #tpu.memory_space<hbm>>
        tpu.wait_dma2 semaphore(%run_scoped3A_34 : memref<!tpu.dma_semaphore, #tpu.memory_space<semaphore_mem>>) src(%dma_wait3A_45 : memref<320xi32, #tpu.memory_space<hbm>>) dst(%arg15 : memref<320xi32, #tpu.memory_space<vmem>>)
        tpu.yield
      }) : () -> ()
      %dma_start3A = arith.constant 0 : i32
      %dma_start3A_23 = arith.constant 0 : i32
      %dma_start3A_24 = tpu.memref_slice %arg16[%dma_start3A, %dma_start3A_23] : memref<384x8xf32, #tpu.memory_space<vmem>> -> memref<320x8xf32, #tpu.memory_space<vmem>>
      %dma_start3A_25 = arith.constant 0 : i32
      %dma_start3A_26 = arith.constant 0 : i32
      %dma_start3A_27 = tpu.memref_slice %arg2[%dma_start3A_25, %dma_start3A_26] : memref<100000x8xf32, #tpu.memory_space<hbm>> -> memref<100000x8xf32, #tpu.memory_space<hbm>>
      tpu.enqueue_indirect_dma source(%dma_start3A_27 : memref<100000x8xf32, #tpu.memory_space<hbm>>) target(%dma_start3A_24 : memref<320x8xf32, #tpu.memory_space<vmem>>) offsets(%arg14 : memref<320xi32, #tpu.memory_space<vmem>>) semaphore(%arg18 : memref<!tpu.dma_semaphore, #tpu.memory_space<semaphore_mem>>)
      %dma_start3A_28 = arith.constant 0 : i32
      %dma_start3A_29 = arith.constant 0 : i32
      %dma_start3A_30 = tpu.memref_slice %arg17[%dma_start3A_28, %dma_start3A_29] : memref<384x8xf32, #tpu.memory_space<vmem>> -> memref<320x8xf32, #tpu.memory_space<vmem>>
      %dma_start3A_31 = arith.constant 0 : i32
      %dma_start3A_32 = arith.constant 0 : i32
      %dma_start3A_33 = tpu.memref_slice %arg3[%dma_start3A_31, %dma_start3A_32] : memref<100000x8xf32, #tpu.memory_space<hbm>> -> memref<100000x8xf32, #tpu.memory_space<hbm>>
      tpu.enqueue_indirect_dma source(%dma_start3A_33 : memref<100000x8xf32, #tpu.memory_space<hbm>>) target(%dma_start3A_30 : memref<320x8xf32, #tpu.memory_space<vmem>>) offsets(%arg15 : memref<320xi32, #tpu.memory_space<vmem>>) semaphore(%arg19 : memref<!tpu.dma_semaphore, #tpu.memory_space<semaphore_mem>>)
    } else {
    }
    %lt3A_12 = arith.constant 13 : i32
    %lt3A_13 = arith.cmpi slt, %add3A, %lt3A_12 : i32
    %convert_element_type3A_14 = arith.extui %lt3A_13 : i1 to i32
    %cond3A_15 = arith.constant 0 : i32
    %cond3A_16 = arith.cmpi ne, %convert_element_type3A_14, %cond3A_15 : i32
    scf.if %cond3A_16 {
      %dma_wait3A = arith.constant 1 : i32
      %dma_wait3A_22 = arith.constant 0 : i32
      %dma_wait3A_23 = tpu.memref_slice %arg6[%dma_wait3A, %dma_wait3A_22] : memref<2x1280xi32, #tpu.memory_space<vmem>> -> memref<1x1280xi32, #tpu.memory_space<vmem>>
      %dma_wait3A_24 = tpu.memref_squeeze %dma_wait3A_23 : memref<1x1280xi32, #tpu.memory_space<vmem>> -> memref<1280xi32, #tpu.memory_space<vmem>>
      %dma_wait3A_25 = arith.constant 0 : i32
      %dma_wait3A_26 = arith.constant 0 : i32
      %dma_wait3A_27 = tpu.memref_slice %arg2[%dma_wait3A_25, %dma_wait3A_26] : memref<100000x8xf32, #tpu.memory_space<hbm>> -> memref<100000x8xf32, #tpu.memory_space<hbm>>
      tpu.wait_indirect_dma semaphore(%arg20 : memref<!tpu.dma_semaphore, #tpu.memory_space<semaphore_mem>>) src(%dma_wait3A_27 : memref<100000x8xf32, #tpu.memory_space<hbm>>) dst(%arg10 : memref<1280x8xf32, #tpu.memory_space<vmem>>)
      %dma_wait3A_28 = arith.constant 1 : i32
      %dma_wait3A_29 = arith.constant 0 : i32
      %dma_wait3A_30 = tpu.memref_slice %arg7[%dma_wait3A_28, %dma_wait3A_29] : memref<2x1280xi32, #tpu.memory_space<vmem>> -> memref<1x1280xi32, #tpu.memory_space<vmem>>
      %dma_wait3A_31 = tpu.memref_squeeze %dma_wait3A_30 : memref<1x1280xi32, #tpu.memory_space<vmem>> -> memref<1280xi32, #tpu.memory_space<vmem>>
      %dma_wait3A_32 = arith.constant 0 : i32
      %dma_wait3A_33 = arith.constant 0 : i32
      %dma_wait3A_34 = tpu.memref_slice %arg3[%dma_wait3A_32, %dma_wait3A_33] : memref<100000x8xf32, #tpu.memory_space<hbm>> -> memref<100000x8xf32, #tpu.memory_space<hbm>>
      tpu.wait_indirect_dma semaphore(%arg21 : memref<!tpu.dma_semaphore, #tpu.memory_space<semaphore_mem>>) src(%dma_wait3A_34 : memref<100000x8xf32, #tpu.memory_space<hbm>>) dst(%arg11 : memref<1280x8xf32, #tpu.memory_space<vmem>>)
      %add3A_35 = arith.constant 768 : i32
      %add3A_36 = arith.addi %add3A_35, %add3A : i32
      %parallel_loop3A = arith.constant 0 : i32
      %parallel_loop3A_37 = arith.constant 640 : i32
      %parallel_loop3A_38 = arith.constant 1 : i32
      scf.for %parallel_loop3A_41 = %parallel_loop3A to %parallel_loop3A_37 step %parallel_loop3A_38  : i32 {
        %parallel_loop3A_42 = arith.constant 6 : i32
        %parallel_loop3A_43 = arith.shrsi %parallel_loop3A_41, %parallel_loop3A_42 : i32
        %parallel_loop3A_44 = arith.constant 3 : i32
        %parallel_loop3A_45 = arith.shrsi %parallel_loop3A_41, %parallel_loop3A_44 : i32
        %parallel_loop3A_46 = arith.constant 7 : i32
        %parallel_loop3A_47 = arith.andi %parallel_loop3A_45, %parallel_loop3A_46 : i32
        %parallel_loop3A_48 = arith.constant 7 : i32
        %parallel_loop3A_49 = arith.andi %parallel_loop3A_41, %parallel_loop3A_48 : i32
        %parallel_loop3A_50 = arith.constant 128 : i32
        %parallel_loop3A_51 = arith.muli %parallel_loop3A_43, %parallel_loop3A_50 : i32
        %parallel_loop3A_52 = arith.constant 16 : i32
        %parallel_loop3A_53 = arith.muli %parallel_loop3A_49, %parallel_loop3A_52 : i32
        %parallel_loop3A_54 = arith.addi %parallel_loop3A_51, %parallel_loop3A_53 : i32
        %parallel_loop3A_55 = vector.broadcast %parallel_loop3A_54 : i32 to vector<16xi32>
        %parallel_loop3A_56 = arith.addi %parallel_loop3A_55, %iota3A : vector<16xi32>
        %parallel_loop3A_57 = vector.broadcast %parallel_loop3A_47 : i32 to vector<16xi32>
        %parallel_loop3A_58 = tpu.vector_load_idx %arg10[%parallel_loop3A_56, %parallel_loop3A_57] : memref<1280x8xf32, #tpu.memory_space<vmem>>[vector<16xi32>, vector<16xi32>], vector<16xf32>,
        %parallel_loop3A_59 = tpu.vector_load_idx %arg11[%parallel_loop3A_56, %parallel_loop3A_57] : memref<1280x8xf32, #tpu.memory_space<vmem>>[vector<16xi32>, vector<16xi32>], vector<16xf32>,
        %parallel_loop3A_60 = arith.addf %parallel_loop3A_58, %parallel_loop3A_59 : vector<16xf32>
        %parallel_loop3A_61 = arith.constant 16 : i32
        %parallel_loop3A_62 = arith.muli %parallel_loop3A_49, %parallel_loop3A_61 : i32
        %parallel_loop3A_63 = arith.index_cast %parallel_loop3A_43 : i32 to index
        %parallel_loop3A_64 = arith.index_cast %parallel_loop3A_47 : i32 to index
        %parallel_loop3A_65 = arith.index_cast %parallel_loop3A_62 : i32 to index
        %parallel_loop3A_66 = tpu.vector_load %arg13[%parallel_loop3A_63, %parallel_loop3A_64, %parallel_loop3A_65] {strides = array<i32>} : memref<10x8x128xf32, #tpu.memory_space<vmem>>, vector<16xf32>,
        tpu.vector_store %arg13[%parallel_loop3A_63, %parallel_loop3A_64, %parallel_loop3A_65], %parallel_loop3A_60 {strides = array<i32>} : memref<10x8x128xf32, #tpu.memory_space<vmem>>, vector<16xf32>,
      } {sc.loop_unroll_factor = 8 : i64, sc.parallel_access}
      %mul3A_39 = arith.constant 10 : i32
      %mul3A_40 = arith.muli %add3A_36, %mul3A_39 : i32
      "tpu.region"() ({
        %run_scoped3A = tpu.sem_alloc : memref<!tpu.dma_semaphore, #tpu.memory_space<semaphore_mem>>
        %dma_start3A = arith.constant 0 : i32
        %dma_start3A_41 = arith.constant 0 : i32
        %dma_start3A_42 = tpu.memref_slice %arg5[%mul3A_40, %dma_start3A, %dma_start3A_41] : memref<7813x8x128xf32, #tpu.memory_space<hbm>> -> memref<10x8x128xf32, #tpu.memory_space<hbm>>
        %dma_start3A_43 = arith.constant 0 : i32
        %dma_start3A_44 = arith.constant 0 : i32
        %dma_start3A_45 = tpu.memref_slice %arg5[%mul3A_40, %dma_start3A_43, %dma_start3A_44] : memref<7813x8x128xf32, #tpu.memory_space<hbm>> -> memref<10x8x128xf32, #tpu.memory_space<hbm>>
        tpu.enqueue_dma source(%arg13 : memref<10x8x128xf32, #tpu.memory_space<vmem>>) target(%dma_start3A_45 : memref<10x8x128xf32, #tpu.memory_space<hbm>>) target_semaphore(%run_scoped3A : memref<!tpu.dma_semaphore, #tpu.memory_space<semaphore_mem>>)
        %dma_wait3A_46 = arith.constant 0 : i32
        %dma_wait3A_47 = arith.constant 0 : i32
        %dma_wait3A_48 = tpu.memref_slice %arg5[%mul3A_40, %dma_wait3A_46, %dma_wait3A_47] : memref<7813x8x128xf32, #tpu.memory_space<hbm>> -> memref<10x8x128xf32, #tpu.memory_space<hbm>>
        %dma_wait3A_49 = arith.constant 0 : i32
        %dma_wait3A_50 = arith.constant 0 : i32
        %dma_wait3A_51 = tpu.memref_slice %arg5[%mul3A_40, %dma_wait3A_49, %dma_wait3A_50] : memref<7813x8x128xf32, #tpu.memory_space<hbm>> -> memref<10x8x128xf32, #tpu.memory_space<hbm>>
        tpu.wait_dma2 semaphore(%run_scoped3A : memref<!tpu.dma_semaphore, #tpu.memory_space<semaphore_mem>>) src(%arg13 : memref<10x8x128xf32, #tpu.memory_space<vmem>>) dst(%dma_wait3A_51 : memref<10x8x128xf32, #tpu.memory_space<hbm>>)
        tpu.yield
      }) : () -> ()
    } else {
    }
    %eq3A_17 = arith.constant 31 : i32
    %eq3A_18 = arith.cmpi eq, %add3A, %eq3A_17 : i32
    %convert_element_type3A_19 = arith.extui %eq3A_18 : i1 to i32
    %cond3A_20 = arith.constant 0 : i32
    %cond3A_21 = arith.cmpi ne, %convert_element_type3A_19, %cond3A_20 : i32
    scf.if %cond3A_21 {
      %dma_wait3A = arith.constant 0 : i32
      %dma_wait3A_22 = arith.constant 0 : i32
      %dma_wait3A_23 = tpu.memref_slice %arg16[%dma_wait3A, %dma_wait3A_22] : memref<384x8xf32, #tpu.memory_space<vmem>> -> memref<320x8xf32, #tpu.memory_space<vmem>>
      %dma_wait3A_24 = arith.constant 0 : i32
      %dma_wait3A_25 = arith.constant 0 : i32
      %dma_wait3A_26 = tpu.memref_slice %arg2[%dma_wait3A_24, %dma_wait3A_25] : memref<100000x8xf32, #tpu.memory_space<hbm>> -> memref<100000x8xf32, #tpu.memory_space<hbm>>
      tpu.wait_indirect_dma semaphore(%arg18 : memref<!tpu.dma_semaphore, #tpu.memory_space<semaphore_mem>>) src(%dma_wait3A_26 : memref<100000x8xf32, #tpu.memory_space<hbm>>) dst(%dma_wait3A_23 : memref<320x8xf32, #tpu.memory_space<vmem>>)
      %dma_wait3A_27 = arith.constant 0 : i32
      %dma_wait3A_28 = arith.constant 0 : i32
      %dma_wait3A_29 = tpu.memref_slice %arg17[%dma_wait3A_27, %dma_wait3A_28] : memref<384x8xf32, #tpu.memory_space<vmem>> -> memref<320x8xf32, #tpu.memory_space<vmem>>
      %dma_wait3A_30 = arith.constant 0 : i32
      %dma_wait3A_31 = arith.constant 0 : i32
      %dma_wait3A_32 = tpu.memref_slice %arg3[%dma_wait3A_30, %dma_wait3A_31] : memref<100000x8xf32, #tpu.memory_space<hbm>> -> memref<100000x8xf32, #tpu.memory_space<hbm>>
      tpu.wait_indirect_dma semaphore(%arg19 : memref<!tpu.dma_semaphore, #tpu.memory_space<semaphore_mem>>) src(%dma_wait3A_32 : memref<100000x8xf32, #tpu.memory_space<hbm>>) dst(%dma_wait3A_29 : memref<320x8xf32, #tpu.memory_space<vmem>>)
      %parallel_loop3A = arith.constant 0 : i32
      %parallel_loop3A_33 = arith.constant 192 : i32
      %parallel_loop3A_34 = arith.constant 1 : i32
      scf.for %parallel_loop3A_35 = %parallel_loop3A to %parallel_loop3A_33 step %parallel_loop3A_34  : i32 {
        %parallel_loop3A_36 = arith.constant 6 : i32
        %parallel_loop3A_37 = arith.shrsi %parallel_loop3A_35, %parallel_loop3A_36 : i32
        %parallel_loop3A_38 = arith.constant 3 : i32
        %parallel_loop3A_39 = arith.shrsi %parallel_loop3A_35, %parallel_loop3A_38 : i32
        %parallel_loop3A_40 = arith.constant 7 : i32
        %parallel_loop3A_41 = arith.andi %parallel_loop3A_39, %parallel_loop3A_40 : i32
        %parallel_loop3A_42 = arith.constant 7 : i32
        %parallel_loop3A_43 = arith.andi %parallel_loop3A_35, %parallel_loop3A_42 : i32
        %parallel_loop3A_44 = arith.constant 128 : i32
        %parallel_loop3A_45 = arith.muli %parallel_loop3A_37, %parallel_loop3A_44 : i32
        %parallel_loop3A_46 = arith.constant 16 : i32
        %parallel_loop3A_47 = arith.muli %parallel_loop3A_43, %parallel_loop3A_46 : i32
        %parallel_loop3A_48 = arith.addi %parallel_loop3A_45, %parallel_loop3A_47 : i32
        %parallel_loop3A_49 = vector.broadcast %parallel_loop3A_48 : i32 to vector<16xi32>
        %parallel_loop3A_50 = arith.addi %parallel_loop3A_49, %iota3A : vector<16xi32>
        %parallel_loop3A_51 = vector.broadcast %parallel_loop3A_41 : i32 to vector<16xi32>
        %parallel_loop3A_52 = tpu.vector_load_idx %arg16[%parallel_loop3A_50, %parallel_loop3A_51] : memref<384x8xf32, #tpu.memory_space<vmem>>[vector<16xi32>, vector<16xi32>], vector<16xf32>,
        %parallel_loop3A_53 = tpu.vector_load_idx %arg17[%parallel_loop3A_50, %parallel_loop3A_51] : memref<384x8xf32, #tpu.memory_space<vmem>>[vector<16xi32>, vector<16xi32>], vector<16xf32>,
        %parallel_loop3A_54 = arith.addf %parallel_loop3A_52, %parallel_loop3A_53 : vector<16xf32>
        %parallel_loop3A_55 = arith.constant 16 : i32
        %parallel_loop3A_56 = arith.muli %parallel_loop3A_43, %parallel_loop3A_55 : i32
        %parallel_loop3A_57 = arith.index_cast %parallel_loop3A_37 : i32 to index
        %parallel_loop3A_58 = arith.index_cast %parallel_loop3A_41 : i32 to index
        %parallel_loop3A_59 = arith.index_cast %parallel_loop3A_56 : i32 to index
        %parallel_loop3A_60 = tpu.vector_load %arg12[%parallel_loop3A_57, %parallel_loop3A_58, %parallel_loop3A_59] {strides = array<i32>} : memref<10x8x128xf32, #tpu.memory_space<vmem>>, vector<16xf32>,
        tpu.vector_store %arg12[%parallel_loop3A_57, %parallel_loop3A_58, %parallel_loop3A_59], %parallel_loop3A_54 {strides = array<i32>} : memref<10x8x128xf32, #tpu.memory_space<vmem>>, vector<16xf32>,
      } {sc.loop_unroll_factor = 8 : i64, sc.parallel_access}
      "tpu.region"() ({
        %run_scoped3A = tpu.sem_alloc : memref<!tpu.dma_semaphore, #tpu.memory_space<semaphore_mem>>
        %dma_start3A = arith.constant 0 : i32
        %dma_start3A_35 = arith.constant 0 : i32
        %dma_start3A_36 = arith.constant 0 : i32
        %dma_start3A_37 = tpu.memref_slice %arg12[%dma_start3A, %dma_start3A_35, %dma_start3A_36] : memref<10x8x128xf32, #tpu.memory_space<vmem>> -> memref<3x8x128xf32, #tpu.memory_space<vmem>>
        %dma_start3A_38 = arith.constant 7810 : i32
        %dma_start3A_39 = arith.constant 0 : i32
        %dma_start3A_40 = arith.constant 0 : i32
        %dma_start3A_41 = tpu.memref_slice %arg5[%dma_start3A_38, %dma_start3A_39, %dma_start3A_40] : memref<7813x8x128xf32, #tpu.memory_space<hbm>> -> memref<3x8x128xf32, #tpu.memory_space<hbm>>
        %dma_start3A_42 = arith.constant 7810 : i32
        %dma_start3A_43 = arith.constant 0 : i32
        %dma_start3A_44 = arith.constant 0 : i32
        %dma_start3A_45 = tpu.memref_slice %arg5[%dma_start3A_42, %dma_start3A_43, %dma_start3A_44] : memref<7813x8x128xf32, #tpu.memory_space<hbm>> -> memref<3x8x128xf32, #tpu.memory_space<hbm>>
        %dma_start3A_46 = arith.constant 0 : i32
        %dma_start3A_47 = arith.constant 0 : i32
        %dma_start3A_48 = arith.constant 0 : i32
        %dma_start3A_49 = tpu.memref_slice %arg12[%dma_start3A_46, %dma_start3A_47, %dma_start3A_48] : memref<10x8x128xf32, #tpu.memory_space<vmem>> -> memref<3x8x128xf32, #tpu.memory_space<vmem>>
        tpu.enqueue_dma source(%dma_start3A_49 : memref<3x8x128xf32, #tpu.memory_space<vmem>>) target(%dma_start3A_45 : memref<3x8x128xf32, #tpu.memory_space<hbm>>) target_semaphore(%run_scoped3A : memref<!tpu.dma_semaphore, #tpu.memory_space<semaphore_mem>>)
        %dma_wait3A_50 = arith.constant 0 : i32
        %dma_wait3A_51 = arith.constant 0 : i32
        %dma_wait3A_52 = arith.constant 0 : i32
        %dma_wait3A_53 = tpu.memref_slice %arg12[%dma_wait3A_50, %dma_wait3A_51, %dma_wait3A_52] : memref<10x8x128xf32, #tpu.memory_space<vmem>> -> memref<3x8x128xf32, #tpu.memory_space<vmem>>
        %dma_wait3A_54 = arith.constant 7810 : i32
        %dma_wait3A_55 = arith.constant 0 : i32
        %dma_wait3A_56 = arith.constant 0 : i32
        %dma_wait3A_57 = tpu.memref_slice %arg5[%dma_wait3A_54, %dma_wait3A_55, %dma_wait3A_56] : memref<7813x8x128xf32, #tpu.memory_space<hbm>> -> memref<3x8x128xf32, #tpu.memory_space<hbm>>
        %dma_wait3A_58 = arith.constant 7810 : i32
        %dma_wait3A_59 = arith.constant 0 : i32
        %dma_wait3A_60 = arith.constant 0 : i32
        %dma_wait3A_61 = tpu.memref_slice %arg5[%dma_wait3A_58, %dma_wait3A_59, %dma_wait3A_60] : memref<7813x8x128xf32, #tpu.memory_space<hbm>> -> memref<3x8x128xf32, #tpu.memory_space<hbm>>
        %dma_wait3A_62 = arith.constant 0 : i32
        %dma_wait3A_63 = arith.constant 0 : i32
        %dma_wait3A_64 = arith.constant 0 : i32
        %dma_wait3A_65 = tpu.memref_slice %arg12[%dma_wait3A_62, %dma_wait3A_63, %dma_wait3A_64] : memref<10x8x128xf32, #tpu.memory_space<vmem>> -> memref<3x8x128xf32, #tpu.memory_space<vmem>>
        tpu.wait_dma2 semaphore(%run_scoped3A : memref<!tpu.dma_semaphore, #tpu.memory_space<semaphore_mem>>) src(%dma_wait3A_65 : memref<3x8x128xf32, #tpu.memory_space<vmem>>) dst(%dma_wait3A_61 : memref<3x8x128xf32, #tpu.memory_space<hbm>>)
        tpu.yield
      }) : () -> ()
    } else {
    }
    return
  }
}

module attributes {stable_mosaic.version = 14 : i64} {
  func.func @_proj_body(%arg0: i32, %arg1: memref<10048x128xf32, #tpu.memory_space<vmem>>, %arg2: memref<10048x128xf32, #tpu.memory_space<vmem>>, %arg3: memref<1024x128xf32, #tpu.memory_space<vmem>>, %arg4: memref<1024x128xf32, #tpu.memory_space<vmem>>, %arg5: memref<1x128xf32, #tpu.memory_space<vmem>>, %arg6: memref<1256x128xf32, #tpu.memory_space<vmem>>, %arg7: memref<1256x128xf32, #tpu.memory_space<vmem>>) attributes {dimension_semantics = [#tpu.dimension_semantics<arbitrary>], iteration_bounds = array<i64: 5>, scalar_prefetch = 0 : i64, scratch_operands = 0 : i64, tpu.core_type = #tpu.core_type<tc>, window_params = [{transform_indices = @transform_0, window_bounds = array<i64: 10048, 128>}, {transform_indices = @transform_1, window_bounds = array<i64: 10048, 128>}, {pipeline_mode = #tpu.pipeline_mode<synchronous>, transform_indices = @transform_2, window_bounds = array<i64: 1024, 128>}, {pipeline_mode = #tpu.pipeline_mode<synchronous>, transform_indices = @transform_3, window_bounds = array<i64: 1024, 128>}, {pipeline_mode = #tpu.pipeline_mode<synchronous>, transform_indices = @transform_4, window_bounds = array<i64: 1, 128>}, {transform_indices = @transform_5, window_bounds = array<i64: 1256, 128>}, {transform_indices = @transform_6, window_bounds = array<i64: 1256, 128>}]} {
    %get3A = arith.constant 0 : index
    %get3A_0 = arith.constant 0 : index
    %get3A_1 = vector.load %arg1[%get3A, %get3A_0] : memref<10048x128xf32, #tpu.memory_space<vmem>>, vector<10048x128xf32>
    %reshape3A = vector.shape_cast %get3A_1 : vector<10048x128xf32> to vector<1256x1024xf32>
    %get3A_2 = arith.constant 0 : index
    %get3A_3 = arith.constant 0 : index
    %get3A_4 = vector.load %arg2[%get3A_2, %get3A_3] : memref<10048x128xf32, #tpu.memory_space<vmem>>, vector<10048x128xf32>
    %reshape3A_5 = vector.shape_cast %get3A_4 : vector<10048x128xf32> to vector<1256x1024xf32>
    %get3A_6 = arith.constant 0 : index
    %get3A_7 = arith.constant 0 : index
    %get3A_8 = vector.load %arg3[%get3A_6, %get3A_7] : memref<1024x128xf32, #tpu.memory_space<vmem>>, vector<1024x128xf32>
    %dot_general3A = arith.constant dense<0.000000e+00> : vector<1256x128xf32>
    %dot_general3A_9 = tpu.matmul %reshape3A, %get3A_8, %dot_general3A {dimension_numbers = #tpu.dot_dimension_numbers<[1], [0], [0], [1], [0, 0, 1, 1], [], []>, transpose_lhs_hint = false} : vector<1256x1024xf32>, vector<1024x128xf32>, vector<1256x128xf32> -> vector<1256x128xf32>
    %get3A_10 = arith.constant 0 : index
    %get3A_11 = arith.constant 0 : index
    %get3A_12 = vector.load %arg5[%get3A_10, %get3A_11] : memref<1x128xf32, #tpu.memory_space<vmem>>, vector<1x128xf32>
    %add3A = vector.broadcast %get3A_12 : vector<1x128xf32> to vector<1256x128xf32>
    %add3A_13 = arith.addf %dot_general3A_9, %add3A : vector<1256x128xf32>
    %swap3A = arith.constant 0 : index
    %swap3A_14 = arith.constant 0 : index
    %swap3A_15 = vector.load %arg6[%swap3A, %swap3A_14] : memref<1256x128xf32, #tpu.memory_space<vmem>>, vector<1256x128xf32>
    tpu.vector_store %arg6[%swap3A, %swap3A_14], %add3A_13 {strides = array<i32>} : memref<1256x128xf32, #tpu.memory_space<vmem>>, vector<1256x128xf32>,
    %get3A_16 = arith.constant 0 : index
    %get3A_17 = arith.constant 0 : index
    %get3A_18 = vector.load %arg4[%get3A_16, %get3A_17] : memref<1024x128xf32, #tpu.memory_space<vmem>>, vector<1024x128xf32>
    %dot_general3A_19 = arith.constant dense<0.000000e+00> : vector<1256x128xf32>
    %dot_general3A_20 = tpu.matmul %reshape3A_5, %get3A_18, %dot_general3A_19 {dimension_numbers = #tpu.dot_dimension_numbers<[1], [0], [0], [1], [0, 0, 1, 1], [], []>, transpose_lhs_hint = false} : vector<1256x1024xf32>, vector<1024x128xf32>, vector<1256x128xf32> -> vector<1256x128xf32>
    %swap3A_21 = arith.constant 0 : index
    %swap3A_22 = arith.constant 0 : index
    %swap3A_23 = vector.load %arg7[%swap3A_21, %swap3A_22] : memref<1256x128xf32, #tpu.memory_space<vmem>>, vector<1256x128xf32>
    tpu.vector_store %arg7[%swap3A_21, %swap3A_22], %dot_general3A_20 {strides = array<i32>} : memref<1256x128xf32, #tpu.memory_space<vmem>>, vector<1256x128xf32>,
    return
  }
  func.func @transform_0(%arg0: i32) -> (i32, i32) {
    %c0_i32 = arith.constant 0 : i32
    %c0_i32_0 = arith.constant 0 : i32
    return %arg0, %c0_i32 : i32, i32
  }
  func.func @transform_1(%arg0: i32) -> (i32, i32) {
    %c0_i32 = arith.constant 0 : i32
    %c0_i32_0 = arith.constant 0 : i32
    return %arg0, %c0_i32 : i32, i32
  }
  func.func @transform_2(%arg0: i32) -> (i32, i32) {
    %c0_i32 = arith.constant 0 : i32
    %c0_i32_0 = arith.constant 0 : i32
    %c0_i32_1 = arith.constant 0 : i32
    return %c0_i32, %c0_i32_0 : i32, i32
  }
  func.func @transform_3(%arg0: i32) -> (i32, i32) {
    %c0_i32 = arith.constant 0 : i32
    %c0_i32_0 = arith.constant 0 : i32
    %c0_i32_1 = arith.constant 0 : i32
    return %c0_i32, %c0_i32_0 : i32, i32
  }
  func.func @transform_4(%arg0: i32) -> (i32, i32) {
    %c0_i32 = arith.constant 0 : i32
    %c0_i32_0 = arith.constant 0 : i32
    %c0_i32_1 = arith.constant 0 : i32
    return %c0_i32, %c0_i32_0 : i32, i32
  }
  func.func @transform_5(%arg0: i32) -> (i32, i32) {
    %c0_i32 = arith.constant 0 : i32
    %c0_i32_0 = arith.constant 0 : i32
    return %arg0, %c0_i32 : i32, i32
  }
  func.func @transform_6(%arg0: i32) -> (i32, i32) {
    %c0_i32 = arith.constant 0 : i32
    %c0_i32_0 = arith.constant 0 : i32
    return %arg0, %c0_i32 : i32, i32
  }
}

module attributes {stable_mosaic.version = 14 : i64} {
  func.func @_declass_body(%arg0: i32, %arg1: memref<632x8x128xf32, #tpu.memory_space<vmem>>, %arg2: memref<7x80896xf32, #tpu.memory_space<vmem>>) attributes {dimension_semantics = [#tpu.dimension_semantics<arbitrary>], iteration_bounds = array<i64: 13>, scalar_prefetch = 0 : i64, scratch_operands = 0 : i64, tpu.core_type = #tpu.core_type<tc>, window_params = [{transform_indices = @transform_0, window_bounds = array<i64: 632, 8, 128>}, {transform_indices = @transform_1, window_bounds = array<i64: 7, 80896>}]} {
    %get3A = arith.constant 0 : index
    %get3A_0 = arith.constant 0 : index
    %get3A_1 = arith.constant 0 : index
    %get3A_2 = vector.load %arg1[%get3A, %get3A_0, %get3A_1] : memref<632x8x128xf32, #tpu.memory_space<vmem>>, vector<632x8x128xf32>
    %transpose3A = tpu.transpose %get3A_2, [1, 0, 2] : vector<632x8x128xf32> -> vector<8x632x128xf32>
    %reshape3A = vector.shape_cast %transpose3A : vector<8x632x128xf32> to vector<8x80896xf32>
    %slice3A = vector.extract_strided_slice %reshape3A {offsets = [0, 0], sizes = [7, 80896], strides = [1, 1]} : vector<8x80896xf32> to vector<7x80896xf32>
    %swap3A = arith.constant 0 : index
    %swap3A_3 = arith.constant 0 : index
    %swap3A_4 = vector.load %arg2[%swap3A, %swap3A_3] : memref<7x80896xf32, #tpu.memory_space<vmem>>, vector<7x80896xf32>
    tpu.vector_store %arg2[%swap3A, %swap3A_3], %slice3A {strides = array<i32>} : memref<7x80896xf32, #tpu.memory_space<vmem>>, vector<7x80896xf32>,
    return
  }
  func.func @transform_0(%arg0: i32) -> (i32, i32, i32) {
    %c0_i32 = arith.constant 0 : i32
    %c0_i32_0 = arith.constant 0 : i32
    %c0_i32_1 = arith.constant 0 : i32
    return %arg0, %c0_i32, %c0_i32_0 : i32, i32, i32
  }
  func.func @transform_1(%arg0: i32) -> (i32, i32) {
    %c0_i32 = arith.constant 0 : i32
    %c0_i32_0 = arith.constant 0 : i32
    return %c0_i32, %arg0 : i32, i32
  }
}

</mosaic_0001>

<sc_bundles>
// kernel: kernel.5.cloned.1.call-start
scs
__scs_entry_jumppad:
0x0: {  	(pc) =	sbr.rel $0x88, $3  }
0x1: {  	(tag) =	ssettag $0x0;
	lr =	simm.s32 $0x1  }
0x2: {  	[smem:$0x3F9C] =	sst lr;
	_ =	strace $0xD0000000  }
0x3: {  	_ = 	snop  }
0x4: {  	_ = 	snop  }
0x5: {  	_ = 	snop  }
0x6: {  	_ = 	snop  }
0x7: {  	_ = 	snop  }
__scs_overlays_trampoline_lowered:
0x8: {  	[smem:$0x3FAB] =	sst s0  }
0x9: {  	[smem:$0x3FAC] =	sst s1  }
0xa: {  	[smem:$0x3FAD] =	sst s2  }
0xb: {  	[smem:$0x3FAE] =	sst s3  }
0xc: {  	[smem:$0x3FAF] =	sst s4  }
0xd: {  	[smem:$0x3FB0] =	sst s5  }
0xe: {  	[smem:$0x3FB1] =	sst s6  }
0xf: {  	[smem:$0x3FB2] =	sst s7  }
0x10: {  	[smem:$0x3FB3] =	sst s8  }
0x11: {  	[smem:$0x3FB4] =	sst s9;
	s0 =	simm.s32 @!p0 $0x0  }
0x12: {  	s1 =	sld [smem:$0x3F9A];
	s0 =	simm.s32 @p0 $0x1  }
0x13: {  	[smem:$0x3FB5] =	sst s0;
	s0 =	simm.s32 @!p1 $0x0  }
0x14: {  	s2 =	sld [smem:$0x3F99];
	s0 =	simm.s32 @p1 $0x1  }
0x15: {  	[smem:$0x3FB6] =	sst s0;
	s0 =	simm.s32 @!p2 $0x0  }
0x16: {  	s3 =	sld [smem:$0x3FDB];
	s0 =	simm.s32 @p2 $0x1  }
0x17: {  	s4 =	simm.s32 $0x1BF5;
	[smem:$0x3FB8] =	sst s0  }
0x18: {  	s0 =	sld [smem:$0x3F9B];
	_ =	swait.ge [sflag:s4], $0x0  }
0x19: {  	s7 =	sld [smem:$0x3F9C]  }
0x1a: {  	s8 =	sadd.s32 $0xFFFFE003, lr  }
0x1b: {  	s9 =	sadd.s32 $0xFFFFFEF7, lr;
	s5 =	simm.s32 $0xFFFFFFFF;
	p2 =	slt.u32 s8, $0xFFFFF086  }
0x1c: {  	p1 =	slt.u32 s9, $0xF7A;
	s5 =	simm.s32 @!p2 $0x0  }
0x1d: {  	s5 =	simm.s32 @p1 $0x1;
	p0 =	seq.s32 s7, s2  }
0x1e: {  	s7 =	smul.u32 @!p0 $0xF7A, s2;
	p2 =	seq.s32 @!p0 s5, $0x0  }
0x1f: {  	s9 =	smul.u32 $0xF7A, s1;
	s8 =	simm.s32 @!p0 $0x1BF5;
	p2 =	por !p2, p0  }
0x20: {  	[sflag:s8] =	ssyncset.s32 @!p0 $0xFFFFF086;
	s6 =	sadd.s32 @!p0 s3, s7;
	s7 =	simm.s32 @!p0 $0x108  }
0x21: {  	s3 =	sadd.s32 s3, s9;
	s6 =	sadd.s32 @!p0 $0x88, s6;
	s7 =	simm.s32 @p2 $0x1082  }
0x22: {  	[simem:s7], [sflag:s8] =	dma.local @!p0 [hbm:s6], $0xF7A  }
0x23: {  	s9 =	sor.u32 $0xD0000000, s2;
	s6 =	simm.s32 $0x108;
	_ =	swait.ge @!p0 [sflag:s8], $0x0  }
0x24: {  	s3 =	sadd.s32 $0x88, s3;
	s6 =	simm.s32 @!p1 $0x1082;
	[sflag:s4] =	ssyncset.s32 $0xFFFFF086  }
0x25: {  	[simem:s6], [sflag:s4] =	dma.local [hbm:s3], $0xF7A  }
0x26: {  	[smem:$0x3F9C] =	sst s1;
	(tag) =	ssettag s2;
	_ =	strace s9  }
0x27: {  	s1 =	sld [smem:$0x3FAC]  }
0x28: {  	s2 =	sld [smem:$0x3FAD]  }
0x29: {  	s4 =	sld [smem:$0x3FAF]  }
0x2a: {  	p0 =	seq.s32 s5, $0x0;
	s5 =	sld [smem:$0x3FB0]  }
0x2b: {  	s6 =	sld [smem:$0x3FB1]  }
0x2c: {  	s7 =	sld [smem:$0x3FB2]  }
0x2d: {  	s3 =	simm.s32 $0x108;
	s8 =	sld [smem:$0x3FB3]  }
0x2e: {  	s3 =	simm.s32 @!p0 $0x1082;
	s9 =	sld [smem:$0x3FB4]  }
0x2f: {  	lr =	sadd.s32 s0, s3;
	s0 =	sld [smem:$0x3FAB]  }
0x30: {  	s3 =	sld [smem:$0x3FAE]  }
0x31: {  	[smem:$0x3FB7] =	sst s10  }
0x32: {  	s10 =	sld [smem:$0x3FB5];
	_ =	sdelay $0x3  }
0x33: {  	p0 =	seq.s32 s10, $0x1;
	s10 =	sld [smem:$0x3FB7];
	_ =	sdelay $0x3  }
0x34: {  	[smem:$0x3FB7] =	sst s10  }
0x35: {  	s10 =	sld [smem:$0x3FB6];
	_ =	sdelay $0x3  }
0x36: {  	p1 =	seq.s32 s10, $0x1;
	s10 =	sld [smem:$0x3FB7];
	_ =	sdelay $0x3  }
0x37: {  	[smem:$0x3FB7] =	sst s10  }
0x38: {  	s10 =	sld [smem:$0x3FB8]  }
0x39: {  	_ = 	snop;
	(pc) =	sbr.ind lr, $3  }
0x3a: {  	_ = 	snop  }
0x3b: {  	_ = 	snop  }
0x3c: {  	p2 =	seq.s32 s10, $0x1;
	s10 =	sld [smem:$0x3FB7]  }
0x3d: {  	_ =	shalt  }
0x3e: {  	_ =	shalt  }
0x3f: {  	_ =	shalt  }
0x40: {  	_ =	shalt  }
0x41: {  	_ =	shalt  }
0x42: {  	_ =	shalt  }
0x43: {  	_ =	shalt  }
0x44: {  	_ =	shalt  }
0x45: {  	_ =	shalt  }
0x46: {  	_ =	shalt  }
0x47: {  	_ =	shalt  }
0x48: {  	_ =	shalt  }
0x49: {  	_ =	shalt  }
0x4a: {  	_ =	shalt  }
0x4b: {  	_ =	shalt  }
0x4c: {  	_ =	shalt  }
0x4d: {  	_ =	shalt  }
0x4e: {  	_ =	shalt  }
0x4f: {  	_ =	shalt  }
0x50: {  	_ =	shalt  }
0x51: {  	_ =	shalt  }
0x52: {  	_ =	shalt  }
0x53: {  	_ =	shalt  }
0x54: {  	_ =	shalt  }
0x55: {  	_ =	shalt  }
0x56: {  	_ =	shalt  }
0x57: {  	_ =	shalt  }
0x58: {  	_ =	shalt  }
0x59: {  	_ =	shalt  }
0x5a: {  	_ =	shalt  }
0x5b: {  	_ =	shalt  }
0x5c: {  	_ =	shalt  }
0x5d: {  	_ =	shalt  }
0x5e: {  	_ =	shalt  }
0x5f: {  	_ =	shalt  }
0x60: {  	_ =	shalt  }
0x61: {  	_ =	shalt  }
0x62: {  	_ =	shalt  }
0x63: {  	_ =	shalt  }
0x64: {  	_ =	shalt  }
0x65: {  	_ =	shalt  }
0x66: {  	_ =	shalt  }
0x67: {  	_ =	shalt  }
0x68: {  	_ =	shalt  }
0x69: {  	_ =	shalt  }
0x6a: {  	_ =	shalt  }
0x6b: {  	_ =	shalt  }
0x6c: {  	_ =	shalt  }
0x6d: {  	_ =	shalt  }
0x6e: {  	_ =	shalt  }
0x6f: {  	_ =	shalt  }
0x70: {  	_ =	shalt  }
0x71: {  	_ =	shalt  }
0x72: {  	_ =	shalt  }
0x73: {  	_ =	shalt  }
0x74: {  	_ =	shalt  }
0x75: {  	_ =	shalt  }
0x76: {  	_ =	shalt  }
0x77: {  	_ =	shalt  }
0x78: {  	_ =	shalt  }
0x79: {  	_ =	shalt  }
0x7a: {  	_ =	shalt  }
0x7b: {  	_ =	shalt  }
0x7c: {  	_ =	shalt  }
0x7d: {  	_ =	shalt  }
0x7e: {  	_ =	shalt  }
0x7f: {  	_ =	shalt  }
0x80: {  	_ =	shalt  }
0x81: {  	_ =	shalt  }
0x82: {  	_ =	shalt  }
0x83: {  	_ =	shalt  }
0x84: {  	_ =	shalt  }
0x85: {  	_ =	shalt  }
0x86: {  	_ =	shalt  }
0x87: {  	_ =	shalt  }
.Lfunc_end0:
.L_simem_size_0:
called_computation_lowered:
.L_overlay_start_0:
0x88: {  	s2 =	sld [smem:$0x3FD9]  }
0x89: {  	s3 =	sld [smem:$0x3FFE];
	_ =	sdelay $0x1  }
0x8a: {  	s1 =	srdreg.scid  }
0x8b: {  	s0 =	sand.u32 $0x1, s1  }
0x8c: {  	s17 =	sshll.u32 s0, $0xA;
	s2 =	sadd.s32 s3, s2  }
0x8d: {  	s2 =	sadd.s32 s2, s17  }
0x8e: {  	[smem:$0x3FC3] =	sst s2  }
0x8f: {  	_ = 	snop  }
0x90: {  	s2 =	sld [smem:$0x3FD0];
	(tm) =	ssettm $0x1  }
0x91: {  	s18 =	sld [smem:$0x3FFB];
	_ =	sdelay $0x3  }
0x92: {  	_ =	strace s18  }
0x93: {  	s3 =	sld [smem:$0x3FFC];
	_ =	sdelay $0x3  }
0x94: {  	_ =	strace s3  }
0x95: {  	s3 =	sld [smem:$0x3FFD];
	_ =	sdelay $0x3  }
0x96: {  	_ =	strace s3  }
0x97: {  	_ =	strace $0x8FFFFFFF  }
0x98: {  	s19 =	sld [smem:$0x3FDB];
	_ =	sdelay $0x1  }
0x99: {  	s4 =	simm.s32 $_scs_section_size  }
0x9a: {  	s5 =	simm.s32 $_size__tile_overlayer_lowered;
	s6 =	simm.s32 $_tile_overlayer_lowered  }
0x9b: {  	s22 =	simm.s32 $0x1BFF;
	s21 =	sshll.u32 s6, $0x1;
	s3 =	sadd.s32 s4, s19  }
0x9c: {  	s7 =	simm.s32 $0x0;
	s20 =	sshll.u32 s5, $0x1;
	s5 =	sadd.s32 s21, s3  }
0x9d: {  	[timem:s7], [sflag:s22] =	dma.local [hbm:s5], s20  }
0x9e: {  	_ =	swait.ge [sflag:s22], s20  }
0x9f: {  	s4 =	ssub.s32 $0x0, s20;
	[sflag:s22] =	ssyncset.done $0x0  }
0xa0: {  	[sflag:s22] =	ssyncadd.s32 s4;
	_ =	sdelay $0x1  }
0xa1: {  	s23 =	simm.s32 $0x1B8B  }
0xa2: {  	_ =	swait.ge [sflag:s23], $0x1  }
0xa3: {  	[sflag:s23] =	ssyncset.done $0x0  }
0xa4: {  	s25 =	simm.s32 $0x1B8E;
	s24 =	sld [smem:$0x3FFE];
	[sflag:s23] =	ssyncadd.s32 $0xFFFFFFFF  }
0xa5: {  	s26 =	simm.s32 $execute0_lowered;
	[smem:$0x3FD2] =	sst s25  }
0xa6: {  	s5 =	sshll.u32 s26, $0x1;
	_ =	strace $0x80000046;
	[dreg:$0x1] =	wrdreg $0xFFFFFFFF  }
0xa7: {  	s28 =	simm.s32 $_size_execute0_lowered;
	s3 =	sadd.s32 s3, s5;
	[dreg:$0x0] =	wrdreg $0x0  }
0xa8: {  	s5 =	sshll.u32 s28, $0x1;
	[dreg:$0x2] =	wrdreg s3  }
0xa9: {  	[dreg:$0x3] =	wrdreg s5  }
0xaa: {  	[dreg:$0x4] =	wrdreg $0xC0  }
0xab: {  	_ =	task [dreg:s7], $0x5FFFF  }
0xac: {  	[dreg:$0x1] =	wrdreg $0xFFFFFFFF  }
0xad: {  	[dreg:$0x0] =	wrdreg $0x60  }
0xae: {  	[dreg:$0x2] =	wrdreg s2  }
0xaf: {  	[dreg:$0x3] =	wrdreg s24  }
0xb0: {  	[dreg:$0x4] =	wrdreg $0x9  }
0xb1: {  	_ =	task.clear_ibuf [dreg:s7], $0x5FFFF;
	_ =	strace $0x90000046  }
0xb2: {  	s29 =	simm.s32 $0x9;
	_ =	strace $0x80000048  }
0xb3: {  	_ =	swait.ge [sflag:s29], $0x1  }
0xb4: {  	[sflag:s29] =	ssyncadd.s32 $0xFFFFFFFF  }
0xb5: {  	_ =	strace $0x90000048  }
0xb6: {  	_ =	sfence  }
0xb7: {  	s30 =	sld [smem:$0x0];
	_ =	sdelay $0x2  }
0xb8: {  	s31 =	sshll.u32 s1, $0xD;
	s1 =	sshrl.u32 s1, $0x2  }
0xb9: {  	s3 =	sand.u32 $0x4000, s31;
	s1 =	sadd.s32 s1, s30  }
0xba: {  	s0 =	sor.u32 s3, s0;
	s1 =	sshll.u32 s1, $0x11  }
0xbb: {  	s0 =	sor.u32 s1, s0  }
0xbc: {  	s0 =	sadd.s32 $0x8F2B, s0  }
0xbd: {  	[sflag:s0] =	ssyncadd.remote.s32 $0x1  }
0xbe: {  	_ =	sfence.sel $0xFFFF  }
0xbf: {  	[dreg:$0x0] =	wrdreg $0xFFFFFFFF;
	(pc) =	sbr.abs _section_cstart, $3  }
0xc0: {  	[dreg:$0x1] =	wrdreg $0xFFFFFFFF  }
0xc1: {  	_ =	task.clear_ibuf [dreg:s7], $0x2FFFF;
	_ =	strace $0x9FFFFFFF  }
0xc2: {  	(tm) =	ssettm $0x7FFFFFFF  }
0xc3: {  	_ =	shalt  }
tec
execute0_lowered:
.L_overlay_start_1:
0x0: {  	(tag) =	ssettag $0x1  }
0x1: {  	s0 =	rddreg [dreg:$0x1];
	s3 =	simm.s32 $0x0;
	s2 =	srdreg.scid  }
0x2: {  	s1 =	stileid.u32;
	s15 =	simm.s32 $0x5;
	s17 =	simm.s32 $0x500  }
0x3: {  	s18 =	simm.s32 $0x1400;
	s19 =	simm.s32 $0x3C00;
	s20 =	simm.s32 $0xF00  }
0x4: {  	s21 =	simm.s32 $0x6400;
	s28 =	simm.s32 $0x4;
	s30 =	simm.s32 $0x11280  }
0x5: {  	[smem:$0x7FF] =	sst s3;
	s2 =	sand.u32 $0x1, s2;
	s4 =	sshll.u32 s1, $0x1  }
0x6: {  	s5 =	sadd.s32 $0x40800, s0;
	s6 =	sadd.s32 $0x3600, s0;
	s22 =	sadd.s32 $0x21E20, s0  }
0x7: {  	s24 =	sadd.s32 $0x40668, s0;
	_ =	strace $0x80000047;
	[dreg:$0x3] =	wrdreg s22  }
0x8: {  	s7 =	sadd.s32 $0x59000, s0;
	s0 =	sadd.s32 $0x14D100, s0;
	[dreg:$0x4] =	wrdreg s24  }
0x9: {  	s1 =	sor.u32 s2, s4;
	s2 =	ssub.s32 $0x2, s2;
	[dreg:$0x5] =	wrdreg s0  }
0xa: {  	s22 =	simm.s32 $0x8C00;
	s24 =	simm.s32 $0x2;
	s8 =	smul.u32 $0x500, s1  }
0xb: {  	s9 =	sshrl.u32 s2, $0x1;
	p0 =	slt.u32 s1, $0xD;
	s16 =	smov.u32 s1  }
0xc: {  	p1 =	sne.s32 s1, $0x1F;
	s2 =	ssub.s32 s2, s9;
	s23 =	sshrl.u32 s8, $0x3  }
.Ltmp0:
0xd: {  	s31 =	smax.u32 s2, $0x1;
	s25 =	sadd.s32 s6, s23;
	(pc) =	sbr.rel .LBB2_1-.Ltmp0, $4  }
0xe: {  	s1 =	simm.s32 $0x0;
	[dreg:$0x9] =	wrdreg s31;
	s26 =	sadd.s32 $0x1E000, s25  }
0xf: {  	s29 =	sadd.s32 s8, s7;
	s0 =	sadd.s32 $0x3C848, s25;
	[dreg:$0x6] =	wrdreg s26  }
0x10: {  	v0 =	vlaneseq.u32;
	s2 =	simm.s32 $0x10680;
	[dreg:$0x7] =	wrdreg s0;
	s0 =	sadd.s32 $0xF0000, s29  }
0x11: {  	v0 =	vmul.u32 $0x8, v0;
	s23 =	simm.s32 $0x1;
	s26 =	simm.s32 $0x3;
	[dreg:$0x8] =	wrdreg s0  }
.LBB2_15:
0x12: {  	s1 =	sadd.s32 $0x1, s1;
	s0 =	rddreg [dreg:$0x9]  }
0x13: {  	p2 =	sne.s32 s1, s0  }
.Ltmp1:
0x14: {  	_ = 	snop;
	(pc) =	sbr.rel @!p2 .LBB2_16-.Ltmp1, $1  }
0x15: {  	_ =	sdelay $0x3  }
.LBB2_1:
0x16: {  	[dreg:$0xa] =	wrdreg s1;
	s0 =	simm.s32 $0x0  }
.LBB2_2:
0x17: {  	s8 =	sshll.u32 s0, $0x6  }
0x18: {  	s8 =	sor.u32 s16, s8  }
0x19: {  	s9 =	smul.u32 $0x500, s8;
	_ =	sdelay $0x1  }
0x1a: {  	s8 =	sshrl.u32 s9, $0x3  }
0x1b: {  	s11 =	simm.s32 $0x0;
	s10 =	sadd.s32 s6, s8  }
0x1c: {  	[tilespmem:s11], [sflag:$0x5] =	stream.linear.gather [hbm4b:s10+s11], $0x500, $0x38;
	[tilespmem:$0x11E80] =	vst v63  }
0x1d: {  	_ =	swait.ge [sflag:s15], $0x500  }
0x1e: {  	[sflag:s15] =	ssyncset.done $0x0  }
0x1f: {  	s3 =	simm.s32 $0xA00;
	s8 =	sadd.s32 $0x1E848, s10;
	[sflag:s15] =	ssyncadd.s32 $0xFFFFFB00  }
0x20: {  	[tilespmem:s3], [sflag:$0x5] =	stream.linear.gather [hbm4b:s8+s11], $0x500, $0x38;
	[tilespmem:$0x11E80] =	vst v63  }
0x21: {  	_ =	swait.ge [sflag:s15], $0x500  }
0x22: {  	[sflag:s15] =	ssyncset.done $0x0  }
0x23: {  	[sflag:s15] =	ssyncadd.s32 $0xFFFFFB00  }
0x24: {  	s8 =	sadd.s32 $0xA000, s9;
	s1 =	rddreg [dreg:$0x0]  }
0x25: {  	[tilespmem:s18], [sflag:$0x1] =	stream.indirect.gather [hbm4b:s1+s17], $0x8, s11, s17, $0xb8;
	[tilespmem:$0x11E80] =	vst v63  }
0x26: {  	s12 =	sshrl.u32 s8, $0x3  }
0x27: {  	[tilespmem:s19], [sflag:$0x2] =	stream.indirect.gather [hbm4b:s5+s17], $0x8, s3, s17, $0xb8;
	[tilespmem:$0x11E80] =	vst v63  }
0x28: {  	s12 =	sadd.s32 s6, s12  }
0x29: {  	[tilespmem:s17], [sflag:$0x5] =	stream.linear.gather [hbm4b:s12+s11], $0x500, $0x38;
	[tilespmem:$0x11E80] =	vst v63  }
0x2a: {  	_ =	swait.ge [sflag:s15], $0x500  }
0x2b: {  	[sflag:s15] =	ssyncset.done $0x0  }
0x2c: {  	s10 =	sadd.s32 $0x1FC48, s10;
	[sflag:s15] =	ssyncadd.s32 $0xFFFFFB00  }
0x2d: {  	[tilespmem:s20], [sflag:$0x5] =	stream.linear.gather [hbm4b:s10+s11], $0x500, $0x38;
	[tilespmem:$0x11E80] =	vst v63  }
0x2e: {  	_ =	swait.ge [sflag:s15], $0x500  }
0x2f: {  	[sflag:s15] =	ssyncset.done $0x0  }
0x30: {  	s29 =	simm.s32 $0x0;
	[sflag:s15] =	ssyncadd.s32 $0xFFFFFB00  }
0x31: {  	[tilespmem:s21], [sflag:$0x3] =	stream.indirect.gather [hbm4b:s1+s17], $0x8, s17, s17, $0xb8;
	[tilespmem:$0x11E80] =	vst v63  }
0x32: {  	s1 =	sand.u32 $0xFFFFFF80, s29  }
0x33: {  	s10 =	sor.u32 $0x70, s1  }
0x34: {  	s3 =	sor.u32 $0x10, s1;
	v1 =	vmov s10  }
0x35: {  	[tilespmem:s22], [sflag:$0x4] =	stream.indirect.gather [hbm4b:s5+s17], $0x8, s20, s17, $0xb8;
	v1 =	vshll.u32 v1, $0x3;
	[tilespmem:$0x11E80] =	vst v63  }
0x36: {  	v2 =	vmov s3;
	s10 =	sand.u32 $0x7, s11;
	_ =	swait.ge [sflag:s23], $0x2800;
	v1 =	vor.u32 v0, v1  }
0x37: {  	s4 =	sor.u32 $0x20, s1;
	v2 =	vshll.u32 v2, $0x3;
	[sflag:s23] =	ssyncset.done $0x0;
	v1 =	vor.u32 s10, v1  }
0x38: {  	v3 =	vmov s4;
	v2 =	vor.u32 v0, v2;
	[sflag:s23] =	ssyncadd.s32 $0xFFFFD800  }
0x39: {  	s13 =	sor.u32 $0x30, s1;
	v3 =	vshll.u32 v3, $0x3;
	v2 =	vor.u32 s10, v2;
	_ =	swait.ge [sflag:s24], $0x2800  }
0x3a: {  	v4 =	vmov s13;
	v3 =	vor.u32 v0, v3;
	[sflag:s24] =	ssyncset.done $0x0  }
0x3b: {  	s14 =	sor.u32 $0x40, s1;
	v4 =	vshll.u32 v4, $0x3;
	v3 =	vor.u32 s10, v3;
	[sflag:s24] =	ssyncadd.s32 $0xFFFFD800  }
0x3c: {  	v5 =	vmov s14;
	v4 =	vor.u32 v0, v4;
	v6 =	vld.idx.msk [tilespmem:v1+s18+$0x0], $0xffff  }
0x3d: {  	s29 =	simm.s32 $0x10;
	s25 =	sor.u32 $0x50, s1;
	v5 =	vshll.u32 v5, $0x3;
	v4 =	vor.u32 s10, v4;
	v1 =	vld.idx.msk [tilespmem:v1+s19+$0x0], $0xffff  }
0x3e: {  	v7 =	vmov s25;
	s14 =	sand.u32 $0xFFFFFF80, s29;
	v5 =	vor.u32 v0, v5;
	v8 =	vld.idx.msk [tilespmem:v2+s18+$0x0], $0xffff  }
0x3f: {  	v7 =	vshll.u32 v7, $0x3;
	s11 =	sor.u32 $0x70, s14;
	v5 =	vor.u32 s10, v5;
	v9 =	vld.idx.msk [tilespmem:v2+s19+$0x0], $0xffff  }
0x40: {  	v7 =	vor.u32 v0, v7;
	v11 =	vmov s11;
	v10 =	vld.idx.msk [tilespmem:v3+s18+$0x0], $0xffff  }
0x41: {  	s13 =	sor.u32 $0x60, s1;
	s4 =	sor.u32 $0x20, s14;
	v7 =	vor.u32 s10, v7;
	v11 =	vshll.u32 v11, $0x3;
	v12 =	vld.idx.msk [tilespmem:v3+s19+$0x0], $0xffff;
	v3 =	vmov s1;
	s1 =	simm.s32 $0x1  }
0x42: {  	v16 =	vmov s4;
	v11 =	vor.u32 v0, v11;
	v13 =	vld.idx.msk [tilespmem:v4+s18+$0x0], $0xffff;
	s11 =	sand.u32 $0x7, s1  }
0x43: {  	v16 =	vshll.u32 v16, $0x3;
	v2 =	vmov s13;
	v4 =	vld.idx.msk [tilespmem:v4+s19+$0x0], $0xffff;
	v11 =	vor.u32 s11, v11  }
0x44: {  	v15 =	vmov s14;
	v16 =	vor.u32 v0, v16;
	v14 =	vld.idx.msk [tilespmem:v5+s18+$0x0], $0xffff;
	v2 =	vshll.u32 v2, $0x3  }
0x45: {  	v15 =	vshll.u32 v15, $0x3;
	v5 =	vld.idx.msk [tilespmem:v5+s19+$0x0], $0xffff;
	s13 =	sor.u32 $0x30, s14;
	v2 =	vor.u32 v0, v2;
	v16 =	vor.u32 s11, v16  }
0x46: {  	s25 =	sor.u32 $0x40, s14;
	v17 =	vld.idx.msk [tilespmem:v7+s18+$0x0], $0xffff;
	v3 =	vshll.u32 v3, $0x3;
	v18 =	vmov s13;
	v2 =	vor.u32 s10, v2  }
0x47: {  	s3 =	sor.u32 $0x10, s14;
	v19 =	vmov s25;
	v7 =	vld.idx.msk [tilespmem:v7+s19+$0x0], $0xffff;
	v3 =	vor.u32 v0, v3;
	v18 =	vshll.u32 v18, $0x3  }
0x48: {  	s29 =	sor.u32 $0x50, s14;
	v3 =	vor.u32 s10, v3;
	v6 =	vadd.f32 v1, v6;
	v1 =	vmov s3;
	v24 =	vld.idx.msk [tilespmem:v11+s18+$0x0], $0xffff  }
0x49: {  	v20 =	vmov s29;
	v18 =	vor.u32 v0, v18;
	v1 =	vshll.u32 v1, $0x3;
	v11 =	vld.idx.msk [tilespmem:v11+s19+$0x0], $0xffff  }
0x4a: {  	v15 =	vor.u32 v0, v15;
	s1 =	sor.u32 $0x60, s14;
	v18 =	vor.u32 s11, v18;
	v1 =	vor.u32 v0, v1;
	v26 =	vld.idx.msk [tilespmem:v16+s19+$0x0], $0xffff  }
0x4b: {  	v21 =	vmov s1;
	v8 =	vadd.f32 v9, v8;
	v22 =	vld.idx.msk [tilespmem:v2+s18+$0x0], $0xffff;
	v23 =	vor.u32 s11, v1  }
0x4c: {  	s4 =	simm.s32 $0x0;
	s3 =	simm.s32 $0x20;
	v1 =	vshll.u32 v19, $0x3;
	v19 =	vshll.u32 v20, $0x3;
	v20 =	vshll.u32 v21, $0x3;
	v21 =	vld.idx.msk [tilespmem:v2+s19+$0x0], $0xffff  }
0x4d: {  	s25 =	sand.u32 $0x3FFFFC00, s4;
	s10 =	sshll.u32 s10, $0x7;
	v10 =	vadd.f32 v12, v10;
	v4 =	vadd.f32 v4, v13;
	s14 =	sand.u32 $0xFFFFFF80, s3;
	v2 =	vor.u32 v0, v1;
	v1 =	vld.idx.msk [tilespmem:v3+s18+$0x0], $0xffff  }
0x4e: {  	s10 =	sor.u32 s10, s25;
	v5 =	vadd.f32 v5, v14;
	v7 =	vadd.f32 v7, v17;
	v12 =	vmov s14;
	s1 =	sor.u32 $0x10, s14;
	v3 =	vld.idx.msk [tilespmem:v3+s19+$0x0], $0xffff  }
0x4f: {  	[tilespmem:s10+$0xB470] =	vst v6;
	s3 =	sor.u32 $0x20, s14;
	v6 =	vmov s1;
	v19 =	vor.u32 v0, v19;
	v27 =	vld.idx.msk [tilespmem:v18+s18+$0x0], $0xffff;
	v25 =	vor.u32 s11, v2  }
0x50: {  	s29 =	sor.u32 $0x70, s14;
	v14 =	vmov s3;
	v20 =	vor.u32 v0, v20;
	v28 =	vld.idx.msk [tilespmem:v18+s19+$0x0], $0xffff;
	v19 =	vor.u32 s11, v19  }
0x51: {  	v24 =	vadd.f32 v11, v24;
	v11 =	vshll.u32 v12, $0x3;
	v12 =	vmov s29;
	v9 =	vld.idx.msk [tilespmem:v23+s18+$0x0], $0xffff  }
0x52: {  	s12 =	simm.s32 $0x2;
	v6 =	vshll.u32 v6, $0x3;
	v14 =	vshll.u32 v14, $0x3;
	v13 =	vld.idx.msk [tilespmem:v23+s19+$0x0], $0xffff;
	v12 =	vshll.u32 v12, $0x3  }
0x53: {  	s13 =	sand.u32 $0x7, s12;
	[tilespmem:s10+$0xB410] =	vst v8;
	s25 =	sor.u32 $0x60, s14;
	v2 =	vor.u32 s11, v15;
	v15 =	vor.u32 s11, v20;
	v23 =	vld.idx.msk [tilespmem:v16+s18+$0x0], $0xffff;
	v8 =	vor.u32 v0, v12  }
0x54: {  	s31 =	sor.u32 $0x30, s14;
	s4 =	sor.u32 $0x40, s14;
	[tilespmem:s10+$0xB420] =	vst v10;
	v20 =	vmov s25;
	v63 =	vor.u32 v0, v14;
	v18 =	vor.u32 s13, v8;
	v8 =	vld.idx.msk [tilespmem:v25+s18+$0x0], $0xffff  }
0x55: {  	[tilespmem:s10+$0xB440] =	vst v5;
	v5 =	vshll.u32 v20, $0x3;
	v16 =	vmov s31;
	v12 =	vmov s4;
	v10 =	vld.idx.msk [tilespmem:v25+s19+$0x0], $0xffff  }
0x56: {  	[tilespmem:s10+$0xB430] =	vst v4;
	v31 =	vor.u32 v0, v5;
	s31 =	sor.u32 $0x50, s14;
	v4 =	vshll.u32 v16, $0x3;
	v16 =	vshll.u32 v12, $0x3;
	v12 =	vld.idx.msk [tilespmem:v19+s18+$0x0], $0xffff  }
0x57: {  	v21 =	vadd.f32 v21, v22;
	v22 =	vor.u32 v0, v6;
	v17 =	vmov s31;
	v14 =	vld.idx.msk [tilespmem:v19+s19+$0x0], $0xffff  }
0x58: {  	v32 =	vor.u32 v0, v11;
	v17 =	vshll.u32 v17, $0x3;
	v4 =	vor.u32 v0, v4;
	v6 =	vld.idx.msk [tilespmem:v15+s18+$0x0], $0xffff  }
0x59: {  	s29 =	simm.s32 $0x80;
	v19 =	vor.u32 s13, v22;
	v15 =	vld.idx.msk [tilespmem:v15+s19+$0x0], $0xffff;
	[tilespmem:s10+$0xB460] =	vst v21;
	v21 =	vadd.f32 v28, v27;
	v29 =	vor.u32 v0, v16  }
0x5a: {  	s11 =	sshll.u32 s11, $0x7;
	s3 =	sand.u32 $0x3FFFFC00, s29;
	v30 =	vor.u32 v0, v17;
	v16 =	vor.u32 s13, v63;
	v20 =	vadd.f32 v13, v9;
	v13 =	vld.idx.msk [tilespmem:v18+s18+$0x0], $0xffff  }
0x5b: {  	[tilespmem:s10+$0xB450] =	vst v7;
	s11 =	sor.u32 s11, s3;
	v11 =	vor.u32 s13, v4;
	v4 =	vor.u32 s13, v31;
	v7 =	vor.u32 s13, v29;
	v17 =	vld.idx.msk [tilespmem:v18+s19+$0x0], $0xffff  }
0x5c: {  	s14 =	simm.s32 $0x10;
	s31 =	simm.s32 $0x10;
	[tilespmem:s11+$0xB470] =	vst v24;
	v5 =	vor.u32 s13, v30;
	v9 =	vld.idx.msk [tilespmem:v2+s18+$0x0], $0xffff;
	v22 =	vadd.f32 v26, v23;
	v18 =	vor.u32 s13, v32  }
.LBB2_3:
0x5d: {  	s31 =	sadd.s32 $0x8, s31;
	v23 =	vld.idx.msk [tilespmem:v2+s19+$0x0], $0xffff;
	[tilespmem:s11+$0xB410] =	vst v20;
	v8 =	vadd.f32 v10, v8;
	v10 =	vadd.f32 v14, v12;
	v2 =	vmov v18  }
0x5e: {  	v12 =	vadd.f32 v3, v1;
	s3 =	sshll.u32 s31, $0x1;
	p2 =	slt.u32 s31, $0x278;
	v20 =	vld.idx.msk [tilespmem:v19+s18+$0x0], $0xffff;
	[tilespmem:s11+$0xB420] =	vst v22  }
0x5f: {  	s25 =	sshll.u32 s14, $0x4;
	s14 =	smov.u32 s31;
	s3 =	sand.u32 $0xFFFFFF80, s3;
	v22 =	vld.idx.msk [tilespmem:v19+s19+$0x0], $0xffff;
	[tilespmem:s11+$0xB430] =	vst v21  }
0x60: {  	s13 =	sshll.u32 s13, $0x7;
	s25 =	sand.u32 $0x3FFFFC00, s25;
	v18 =	vadd.f32 v17, v13;
	v3 =	vmov s3;
	s29 =	sor.u32 $0x70, s3;
	v21 =	vld.idx.msk [tilespmem:v16+s18+$0x0], $0xffff;
	[tilespmem:s11+$0xB440] =	vst v8  }
0x61: {  	s25 =	sor.u32 s13, s25;
	s4 =	sor.u32 $0x10, s3;
	s1 =	sor.u32 $0x20, s3;
	v6 =	vadd.f32 v15, v6;
	v13 =	vshll.u32 v3, $0x3;
	v17 =	vmov s29;
	v24 =	vld.idx.msk [tilespmem:v16+s19+$0x0], $0xffff;
	[tilespmem:s11+$0xB450] =	vst v10  }
0x62: {  	s12 =	sadd.s32 $0x1, s12;
	v10 =	vmov s4;
	v14 =	vmov s1;
	s1 =	sor.u32 $0x30, s3;
	s4 =	sor.u32 $0x40, s3;
	v1 =	vmovc v9;
	v8 =	vshll.u32 v17, $0x3;
	v25 =	vld.idx.msk [tilespmem:v11+s18+$0x0], $0xffff;
	[tilespmem:s25+$0xB470] =	vst v18  }
0x63: {  	s13 =	sand.u32 $0x7, s12;
	v9 =	vmov s1;
	v15 =	vmov s4;
	s1 =	sor.u32 $0x50, s3;
	s3 =	sor.u32 $0x60, s3;
	v8 =	vor.u32 v0, v8;
	v26 =	vld.idx.msk [tilespmem:v11+s19+$0x0], $0xffff;
	[tilespmem:s11+$0xB460] =	vst v6;
	v3 =	vmovc v23  }
0x64: {  	v6 =	vmov s1;
	v11 =	vmov s3;
	v17 =	vor.u32 s13, v8;
	v8 =	vld.idx.msk [tilespmem:v7+s18+$0x0], $0xffff  }
0x65: {  	v16 =	vshll.u32 v10, $0x3;
	v14 =	vshll.u32 v14, $0x3;
	v9 =	vshll.u32 v9, $0x3;
	v10 =	vld.idx.msk [tilespmem:v7+s19+$0x0], $0xffff;
	[tilespmem:s10+$0xB400] =	vst v12;
	s10 =	smov.u32 s11;
	s11 =	smov.u32 s25  }
0x66: {  	v6 =	vshll.u32 v6, $0x3;
	v11 =	vshll.u32 v11, $0x3;
	v7 =	vshll.u32 v15, $0x3;
	v12 =	vld.idx.msk [tilespmem:v5+s18+$0x0], $0xffff  }
0x67: {  	v9 =	vor.u32 v0, v9;
	v15 =	vor.u32 v0, v16;
	v16 =	vor.u32 v0, v14;
	v14 =	vld.idx.msk [tilespmem:v5+s19+$0x0], $0xffff  }
.Ltmp2:
0x68: {  	v18 =	vor.u32 v0, v6;
	v23 =	vor.u32 v0, v11;
	v5 =	vor.u32 v0, v7;
	v6 =	vld.idx.msk [tilespmem:v4+s18+$0x0], $0xffff;
	(pc) =	sbr.rel @p2 .LBB2_3-.Ltmp2, $4  }
0x69: {  	v27 =	vor.u32 v0, v13;
	v19 =	vor.u32 s13, v15;
	v16 =	vor.u32 s13, v16;
	v13 =	vld.idx.msk [tilespmem:v17+s18+$0x0], $0xffff  }
0x6a: {  	v11 =	vor.u32 s13, v9;
	v7 =	vor.u32 s13, v5;
	v5 =	vor.u32 s13, v18;
	v17 =	vld.idx.msk [tilespmem:v17+s19+$0x0], $0xffff  }
0x6b: {  	v20 =	vadd.f32 v22, v20;
	v18 =	vor.u32 s13, v27;
	v15 =	vld.idx.msk [tilespmem:v4+s19+$0x0], $0xffff;
	v4 =	vor.u32 s13, v23  }
0x6c: {  	v22 =	vadd.f32 v24, v21;
	v21 =	vadd.f32 v26, v25;
	v9 =	vld.idx.msk [tilespmem:v2+s18+$0x0], $0xffff  }
0x6d: {  	_ =	sdelay $0x3  }
0x6e: {  	v2 =	vld.idx.msk [tilespmem:v2+s19+$0x0], $0xffff  }
0x6f: {  	v23 =	vld.idx.msk [tilespmem:v19+s18+$0x0], $0xffff  }
0x70: {  	v19 =	vld.idx.msk [tilespmem:v19+s19+$0x0], $0xffff  }
0x71: {  	v24 =	vld.idx.msk [tilespmem:v16+s18+$0x0], $0xffff  }
0x72: {  	v16 =	vld.idx.msk [tilespmem:v16+s19+$0x0], $0xffff  }
0x73: {  	v25 =	vld.idx.msk [tilespmem:v11+s18+$0x0], $0xffff  }
0x74: {  	[tilespmem:s11+$0xB410] =	vst v20;
	v11 =	vld.idx.msk [tilespmem:v11+s19+$0x0], $0xffff  }
0x75: {  	v8 =	vadd.f32 v10, v8;
	v10 =	vld.idx.msk [tilespmem:v7+s18+$0x0], $0xffff;
	[tilespmem:s11+$0xB420] =	vst v22  }
0x76: {  	v12 =	vadd.f32 v14, v12;
	v7 =	vld.idx.msk [tilespmem:v7+s19+$0x0], $0xffff;
	[tilespmem:s11+$0xB430] =	vst v21  }
0x77: {  	v1 =	vadd.f32 v3, v1;
	v3 =	vld.idx.msk [tilespmem:v4+s18+$0x0], $0xffff;
	[tilespmem:s11+$0xB440] =	vst v8  }
0x78: {  	s1 =	sshll.u32 s14, $0x4;
	v4 =	vld.idx.msk [tilespmem:v4+s19+$0x0], $0xffff;
	[tilespmem:s11+$0xB450] =	vst v12;
	v6 =	vadd.f32 v15, v6  }
0x79: {  	s3 =	sshll.u32 s13, $0x7;
	s1 =	sand.u32 $0x3FFFFC00, s1;
	v13 =	vadd.f32 v17, v13;
	v8 =	vld.idx.msk [tilespmem:v5+s18+$0x0], $0xffff;
	[tilespmem:s10+$0xB400] =	vst v1  }
0x7a: {  	s1 =	sor.u32 s3, s1;
	v5 =	vld.idx.msk [tilespmem:v5+s19+$0x0], $0xffff;
	[tilespmem:s11+$0xB460] =	vst v6;
	v6 =	vadd.f32 v19, v23  }
0x7b: {  	v1 =	vld.idx.msk [tilespmem:v18+s18+$0x0], $0xffff;
	[tilespmem:s1+$0xB470] =	vst v13;
	v12 =	vadd.f32 v16, v24  }
0x7c: {  	v13 =	vld.idx.msk [tilespmem:v18+s19+$0x0], $0xffff;
	v11 =	vadd.f32 v11, v25;
	[tilespmem:s1+$0xB410] =	vst v6  }
0x7d: {  	v3 =	vadd.f32 v4, v3;
	[tilespmem:s1+$0xB420] =	vst v12  }
0x7e: {  	v2 =	vadd.f32 v2, v9;
	[tilespmem:s1+$0xB430] =	vst v11  }
0x7f: {  	v6 =	vadd.f32 v7, v10;
	[tilespmem:s1+$0xB460] =	vst v3  }
0x80: {  	v5 =	vadd.f32 v5, v8;
	[tilespmem:s11+$0xB400] =	vst v2  }
0x81: {  	[tilespmem:s1+$0xB440] =	vst v6;
	v1 =	vadd.f32 v13, v1  }
0x82: {  	s12 =	sadd.s32 s7, s9;
	s14 =	simm.s32 $0x0;
	[tilespmem:s1+$0xB450] =	vst v5  }
0x83: {  	s13 =	simm.s32 $0x0;
	s4 =	simm.s32 $0xB400;
	[tilespmem:s1+$0xB400] =	vst v1;
	s1 =	sand.u32 $0xFFFFFF80, s14  }
0x84: {  	[hbm4b:s12+s13] =	stream.linear.scatter [tilespmem:s4], [sflag:$0x5], $0x2800, $0x38;
	[tilespmem:$0x11E80] =	vst v63  }
0x85: {  	s25 =	sor.u32 $0x70, s1;
	_ =	swait.ge [sflag:s15], $0x2800  }
0x86: {  	v1 =	vmov s25;
	[sflag:s15] =	ssyncset.done $0x0  }
0x87: {  	s29 =	sor.u32 $0x10, s1;
	v1 =	vshll.u32 v1, $0x3;
	[sflag:s15] =	ssyncadd.s32 $0xFFFFD800  }
0x88: {  	s9 =	sand.u32 $0x7, s13;
	v2 =	vmov s29;
	v1 =	vor.u32 v0, v1;
	_ =	swait.ge [sflag:s26], $0x2800  }
0x89: {  	s31 =	sor.u32 $0x20, s1;
	v2 =	vshll.u32 v2, $0x3;
	v1 =	vor.u32 s9, v1;
	[sflag:s26] =	ssyncset.done $0x0  }
0x8a: {  	v3 =	vmov s31;
	v2 =	vor.u32 v0, v2;
	[sflag:s26] =	ssyncadd.s32 $0xFFFFD800  }
0x8b: {  	s4 =	sor.u32 $0x30, s1;
	v3 =	vshll.u32 v3, $0x3;
	v2 =	vor.u32 s9, v2;
	_ =	swait.ge [sflag:s28], $0x2800  }
0x8c: {  	s10 =	sor.u32 $0x40, s1;
	s12 =	simm.s32 $0x10;
	v4 =	vmov s4;
	v3 =	vor.u32 v0, v3;
	[sflag:s28] =	ssyncset.done $0x0  }
0x8d: {  	v5 =	vmov s10;
	s3 =	sand.u32 $0xFFFFFF80, s12;
	v4 =	vshll.u32 v4, $0x3;
	v3 =	vor.u32 s9, v3;
	[sflag:s28] =	ssyncadd.s32 $0xFFFFD800  }
0x8e: {  	v5 =	vshll.u32 v5, $0x3;
	s14 =	sor.u32 $0x70, s3;
	v4 =	vor.u32 v0, v4;
	v6 =	vld.idx.msk [tilespmem:v1+s21+$0x0], $0xffff  }
0x8f: {  	v5 =	vor.u32 v0, v5;
	v11 =	vmov s14;
	v4 =	vor.u32 s9, v4;
	v1 =	vld.idx.msk [tilespmem:v1+s22+$0x0], $0xffff  }
0x90: {  	s25 =	simm.s32 $0x1;
	v5 =	vor.u32 s9, v5;
	v11 =	vshll.u32 v11, $0x3;
	v8 =	vld.idx.msk [tilespmem:v2+s21+$0x0], $0xffff  }
0x91: {  	s11 =	sor.u32 $0x50, s1;
	s10 =	sand.u32 $0x7, s25;
	v11 =	vor.u32 v0, v11;
	v9 =	vld.idx.msk [tilespmem:v2+s22+$0x0], $0xffff  }
0x92: {  	v7 =	vmov s11;
	v11 =	vor.u32 s10, v11;
	v10 =	vld.idx.msk [tilespmem:v3+s21+$0x0], $0xffff  }
0x93: {  	v7 =	vshll.u32 v7, $0x3;
	v15 =	vmov s3;
	s31 =	sor.u32 $0x20, s3;
	s11 =	sor.u32 $0x30, s3;
	v12 =	vld.idx.msk [tilespmem:v3+s22+$0x0], $0xffff  }
0x94: {  	v7 =	vor.u32 v0, v7;
	v16 =	vmov s31;
	v18 =	vmov s11;
	v13 =	vld.idx.msk [tilespmem:v4+s21+$0x0], $0xffff  }
0x95: {  	s12 =	sor.u32 $0x40, s3;
	v7 =	vor.u32 s9, v7;
	v16 =	vshll.u32 v16, $0x3;
	v18 =	vshll.u32 v18, $0x3;
	v14 =	vld.idx.msk [tilespmem:v5+s21+$0x0], $0xffff  }
0x96: {  	s13 =	sor.u32 $0x60, s1;
	v19 =	vmov s12;
	v16 =	vor.u32 v0, v16;
	v18 =	vor.u32 v0, v18;
	v5 =	vld.idx.msk [tilespmem:v5+s22+$0x0], $0xffff  }
0x97: {  	v16 =	vor.u32 s10, v16;
	v2 =	vmov s13;
	v3 =	vmov s1;
	v61 =	vld.idx.msk [tilespmem:v11+s21+$0x0], $0xffff  }
0x98: {  	v18 =	vor.u32 s10, v18;
	s13 =	sor.u32 $0x50, s3;
	v2 =	vshll.u32 v2, $0x3;
	v3 =	vshll.u32 v3, $0x3;
	v11 =	vld.idx.msk [tilespmem:v11+s22+$0x0], $0xffff  }
0x99: {  	s29 =	sor.u32 $0x10, s3;
	v4 =	vld.idx.msk [tilespmem:v4+s22+$0x0], $0xffff;
	s3 =	sor.u32 $0x60, s3;
	v20 =	vmov s13;
	v2 =	vor.u32 v0, v2;
	v3 =	vor.u32 v0, v3  }
0x9a: {  	v17 =	vld.idx.msk [tilespmem:v7+s21+$0x0], $0xffff;
	v21 =	vmov s3;
	v2 =	vor.u32 s9, v2;
	v3 =	vor.u32 s9, v3  }
0x9b: {  	s14 =	simm.s32 $0x20;
	v7 =	vld.idx.msk [tilespmem:v7+s22+$0x0], $0xffff;
	v6 =	vadd.f32 v1, v6;
	v1 =	vmov s29;
	v8 =	vadd.f32 v9, v8  }
0x9c: {  	s1 =	sand.u32 $0xFFFFFF80, s14;
	v26 =	vld.idx.msk [tilespmem:v16+s22+$0x0], $0xffff;
	v10 =	vadd.f32 v12, v10;
	v5 =	vadd.f32 v5, v14;
	v1 =	vshll.u32 v1, $0x3  }
0x9d: {  	s25 =	simm.s32 $0x0;
	s31 =	sor.u32 $0x70, s1;
	v27 =	vld.idx.msk [tilespmem:v18+s21+$0x0], $0xffff;
	v12 =	vmov s1;
	v24 =	vadd.f32 v11, v61;
	v1 =	vor.u32 v0, v1  }
0x9e: {  	s3 =	sand.u32 $0x3FFFFC00, s25;
	s12 =	sor.u32 $0x20, s1;
	v28 =	vld.idx.msk [tilespmem:v18+s22+$0x0], $0xffff;
	s29 =	sshll.u32 s9, $0x7;
	v11 =	vshll.u32 v12, $0x3;
	v12 =	vmov s31;
	v23 =	vor.u32 s10, v1  }
0x9f: {  	s11 =	simm.s32 $0x2;
	v14 =	vmov s12;
	s9 =	sor.u32 s29, s3;
	v12 =	vshll.u32 v12, $0x3;
	v22 =	vld.idx.msk [tilespmem:v2+s21+$0x0], $0xffff;
	v1 =	vshll.u32 v19, $0x3  }
0xa0: {  	s12 =	sand.u32 $0x7, s11;
	[tilespmem:s9+$0xDC10] =	vst v8;
	v19 =	vshll.u32 v20, $0x3;
	v20 =	vshll.u32 v21, $0x3;
	v21 =	vld.idx.msk [tilespmem:v2+s22+$0x0], $0xffff;
	v8 =	vor.u32 v0, v12  }
0xa1: {  	v15 =	vshll.u32 v15, $0x3;
	v2 =	vor.u32 v0, v1;
	v1 =	vld.idx.msk [tilespmem:v3+s21+$0x0], $0xffff;
	v18 =	vor.u32 s12, v8  }
0xa2: {  	v15 =	vor.u32 v0, v15;
	v3 =	vld.idx.msk [tilespmem:v3+s22+$0x0], $0xffff;
	v62 =	vor.u32 s10, v2  }
0xa3: {  	s25 =	sor.u32 $0x50, s1;
	v4 =	vadd.f32 v4, v13;
	v7 =	vadd.f32 v7, v17;
	v19 =	vor.u32 v0, v19;
	v9 =	vld.idx.msk [tilespmem:v23+s21+$0x0], $0xffff  }
0xa4: {  	s4 =	sor.u32 $0x10, s1;
	v17 =	vmov s25;
	v14 =	vshll.u32 v14, $0x3;
	v19 =	vor.u32 s10, v19;
	v13 =	vld.idx.msk [tilespmem:v23+s22+$0x0], $0xffff  }
0xa5: {  	v17 =	vshll.u32 v17, $0x3;
	[tilespmem:s9+$0xDC70] =	vst v6;
	v6 =	vmov s4;
	v20 =	vor.u32 v0, v20;
	v23 =	vld.idx.msk [tilespmem:v16+s21+$0x0], $0xffff  }
0xa6: {  	s14 =	sor.u32 $0x40, s1;
	v30 =	vor.u32 v0, v17;
	v2 =	vor.u32 s10, v15;
	v15 =	vor.u32 s10, v20;
	v17 =	vld.idx.msk [tilespmem:v18+s22+$0x0], $0xffff  }
0xa7: {  	s13 =	sor.u32 $0x30, s1;
	s1 =	sor.u32 $0x60, s1;
	[tilespmem:s9+$0xDC20] =	vst v10;
	v63 =	vor.u32 v0, v14;
	v32 =	vor.u32 v0, v11;
	v12 =	vmov s14;
	v8 =	vld.idx.msk [tilespmem:v62+s21+$0x0], $0xffff  }
0xa8: {  	[tilespmem:s9+$0xDC30] =	vst v4;
	v6 =	vshll.u32 v6, $0x3;
	v20 =	vmov s1;
	v16 =	vmov s13;
	v10 =	vld.idx.msk [tilespmem:v62+s22+$0x0], $0xffff  }
0xa9: {  	[tilespmem:s9+$0xDC40] =	vst v5;
	v5 =	vshll.u32 v20, $0x3;
	v4 =	vshll.u32 v16, $0x3;
	v16 =	vshll.u32 v12, $0x3;
	v12 =	vld.idx.msk [tilespmem:v19+s21+$0x0], $0xffff  }
0xaa: {  	v31 =	vor.u32 v0, v5;
	v21 =	vadd.f32 v21, v22;
	v22 =	vor.u32 v0, v6;
	v14 =	vld.idx.msk [tilespmem:v19+s22+$0x0], $0xffff  }
0xab: {  	s29 =	simm.s32 $0x80;
	v5 =	vor.u32 s12, v30;
	v4 =	vor.u32 v0, v4;
	v6 =	vld.idx.msk [tilespmem:v15+s21+$0x0], $0xffff;
	v19 =	vor.u32 s12, v22  }
0xac: {  	s31 =	sshll.u32 s10, $0x7;
	s1 =	sand.u32 $0x3FFFFC00, s29;
	v29 =	vor.u32 v0, v16;
	v16 =	vor.u32 s12, v63;
	v15 =	vld.idx.msk [tilespmem:v15+s22+$0x0], $0xffff;
	[tilespmem:s9+$0xDC60] =	vst v21;
	v21 =	vadd.f32 v28, v27  }
0xad: {  	[tilespmem:s9+$0xDC50] =	vst v7;
	s10 =	sor.u32 s31, s1;
	v11 =	vor.u32 s12, v4;
	v7 =	vor.u32 s12, v29;
	v20 =	vadd.f32 v13, v9;
	v13 =	vld.idx.msk [tilespmem:v18+s21+$0x0], $0xffff  }
0xae: {  	s14 =	simm.s32 $0x10;
	[tilespmem:s10+$0xDC70] =	vst v24;
	s13 =	simm.s32 $0x10;
	v4 =	vor.u32 s12, v31;
	v18 =	vor.u32 s12, v32;
	v9 =	vld.idx.msk [tilespmem:v2+s21+$0x0], $0xffff;
	v22 =	vadd.f32 v26, v23  }
.LBB2_5:
0xaf: {  	s14 =	sadd.s32 $0x8, s14;
	v23 =	vld.idx.msk [tilespmem:v2+s22+$0x0], $0xffff;
	[tilespmem:s10+$0xDC10] =	vst v20;
	v8 =	vadd.f32 v10, v8;
	v10 =	vadd.f32 v14, v12;
	v2 =	vmov v18  }
0xb0: {  	v12 =	vadd.f32 v3, v1;
	s1 =	sshll.u32 s14, $0x1;
	p2 =	slt.u32 s14, $0x278;
	v20 =	vld.idx.msk [tilespmem:v19+s21+$0x0], $0xffff;
	[tilespmem:s10+$0xDC20] =	vst v22  }
0xb1: {  	s3 =	sshll.u32 s13, $0x4;
	s13 =	smov.u32 s14;
	s1 =	sand.u32 $0xFFFFFF80, s1;
	v22 =	vld.idx.msk [tilespmem:v19+s22+$0x0], $0xffff;
	[tilespmem:s10+$0xDC30] =	vst v21  }
0xb2: {  	s12 =	sshll.u32 s12, $0x7;
	s3 =	sand.u32 $0x3FFFFC00, s3;
	v18 =	vadd.f32 v17, v13;
	v3 =	vmov s1;
	s4 =	sor.u32 $0x70, s1;
	v21 =	vld.idx.msk [tilespmem:v16+s21+$0x0], $0xffff;
	[tilespmem:s10+$0xDC40] =	vst v8  }
0xb3: {  	s3 =	sor.u32 s12, s3;
	s25 =	sor.u32 $0x10, s1;
	s29 =	sor.u32 $0x20, s1;
	v6 =	vadd.f32 v15, v6;
	v13 =	vshll.u32 v3, $0x3;
	v17 =	vmov s4;
	v24 =	vld.idx.msk [tilespmem:v16+s22+$0x0], $0xffff;
	[tilespmem:s10+$0xDC50] =	vst v10  }
0xb4: {  	s11 =	sadd.s32 $0x1, s11;
	v10 =	vmov s25;
	v14 =	vmov s29;
	s4 =	sor.u32 $0x30, s1;
	s25 =	sor.u32 $0x40, s1;
	v1 =	vmovc v9;
	v8 =	vshll.u32 v17, $0x3;
	v25 =	vld.idx.msk [tilespmem:v11+s21+$0x0], $0xffff;
	[tilespmem:s3+$0xDC70] =	vst v18  }
0xb5: {  	s12 =	sand.u32 $0x7, s11;
	v9 =	vmov s4;
	v15 =	vmov s25;
	s4 =	sor.u32 $0x50, s1;
	s1 =	sor.u32 $0x60, s1;
	v8 =	vor.u32 v0, v8;
	v26 =	vld.idx.msk [tilespmem:v11+s22+$0x0], $0xffff;
	[tilespmem:s10+$0xDC60] =	vst v6;
	v3 =	vmovc v23  }
0xb6: {  	v6 =	vmov s4;
	v11 =	vmov s1;
	v17 =	vor.u32 s12, v8;
	v8 =	vld.idx.msk [tilespmem:v7+s21+$0x0], $0xffff  }
0xb7: {  	v16 =	vshll.u32 v10, $0x3;
	v14 =	vshll.u32 v14, $0x3;
	v9 =	vshll.u32 v9, $0x3;
	v10 =	vld.idx.msk [tilespmem:v7+s22+$0x0], $0xffff;
	[tilespmem:s9+$0xDC00] =	vst v12;
	s9 =	smov.u32 s10;
	s10 =	smov.u32 s3  }
0xb8: {  	v6 =	vshll.u32 v6, $0x3;
	v11 =	vshll.u32 v11, $0x3;
	v7 =	vshll.u32 v15, $0x3;
	v12 =	vld.idx.msk [tilespmem:v5+s21+$0x0], $0xffff  }
0xb9: {  	v9 =	vor.u32 v0, v9;
	v15 =	vor.u32 v0, v16;
	v16 =	vor.u32 v0, v14;
	v14 =	vld.idx.msk [tilespmem:v5+s22+$0x0], $0xffff  }
.Ltmp3:
0xba: {  	v18 =	vor.u32 v0, v6;
	v23 =	vor.u32 v0, v11;
	v5 =	vor.u32 v0, v7;
	v6 =	vld.idx.msk [tilespmem:v4+s21+$0x0], $0xffff;
	(pc) =	sbr.rel @p2 .LBB2_5-.Ltmp3, $4  }
0xbb: {  	v27 =	vor.u32 v0, v13;
	v19 =	vor.u32 s12, v15;
	v16 =	vor.u32 s12, v16;
	v13 =	vld.idx.msk [tilespmem:v17+s21+$0x0], $0xffff  }
0xbc: {  	v11 =	vor.u32 s12, v9;
	v7 =	vor.u32 s12, v5;
	v5 =	vor.u32 s12, v18;
	v17 =	vld.idx.msk [tilespmem:v17+s22+$0x0], $0xffff  }
0xbd: {  	v20 =	vadd.f32 v22, v20;
	v18 =	vor.u32 s12, v27;
	v15 =	vld.idx.msk [tilespmem:v4+s22+$0x0], $0xffff;
	v4 =	vor.u32 s12, v23  }
0xbe: {  	v22 =	vadd.f32 v24, v21;
	v21 =	vadd.f32 v26, v25;
	v9 =	vld.idx.msk [tilespmem:v2+s21+$0x0], $0xffff  }
0xbf: {  	_ =	sdelay $0x3  }
0xc0: {  	v2 =	vld.idx.msk [tilespmem:v2+s22+$0x0], $0xffff  }
0xc1: {  	v23 =	vld.idx.msk [tilespmem:v19+s21+$0x0], $0xffff  }
0xc2: {  	v52 =	vld.idx.msk [tilespmem:v19+s22+$0x0], $0xffff  }
0xc3: {  	v24 =	vld.idx.msk [tilespmem:v16+s21+$0x0], $0xffff  }
0xc4: {  	v53 =	vld.idx.msk [tilespmem:v16+s22+$0x0], $0xffff  }
0xc5: {  	v25 =	vld.idx.msk [tilespmem:v11+s21+$0x0], $0xffff  }
0xc6: {  	[tilespmem:s10+$0xDC10] =	vst v20;
	v54 =	vld.idx.msk [tilespmem:v11+s22+$0x0], $0xffff  }
0xc7: {  	v8 =	vadd.f32 v10, v8;
	v55 =	vld.idx.msk [tilespmem:v7+s21+$0x0], $0xffff;
	[tilespmem:s10+$0xDC20] =	vst v22  }
0xc8: {  	v12 =	vadd.f32 v14, v12;
	v56 =	vld.idx.msk [tilespmem:v7+s22+$0x0], $0xffff;
	[tilespmem:s10+$0xDC30] =	vst v21  }
0xc9: {  	s1 =	sshll.u32 s13, $0x4;
	v57 =	vld.idx.msk [tilespmem:v5+s21+$0x0], $0xffff;
	v1 =	vadd.f32 v3, v1;
	[tilespmem:s10+$0xDC40] =	vst v8  }
0xca: {  	s3 =	sshll.u32 s12, $0x7;
	v58 =	vld.idx.msk [tilespmem:v5+s22+$0x0], $0xffff;
	s1 =	sand.u32 $0x3FFFFC00, s1;
	v13 =	vadd.f32 v17, v13;
	[tilespmem:s10+$0xDC50] =	vst v12  }
0xcb: {  	v3 =	vld.idx.msk [tilespmem:v4+s21+$0x0], $0xffff;
	s1 =	sor.u32 s3, s1;
	[tilespmem:s9+$0xDC00] =	vst v1;
	v6 =	vadd.f32 v15, v6  }
0xcc: {  	v60 =	vld.idx.msk [tilespmem:v4+s22+$0x0], $0xffff;
	[tilespmem:s1+$0xDC70] =	vst v13;
	v59 =	vadd.f32 v52, v23  }
0xcd: {  	v62 =	vld.idx.msk [tilespmem:v18+s22+$0x0], $0xffff;
	[tilespmem:s10+$0xDC60] =	vst v6;
	v61 =	vadd.f32 v53, v24  }
0xce: {  	v1 =	vld.idx.msk [tilespmem:v18+s21+$0x0], $0xffff;
	v11 =	vadd.f32 v54, v25;
	[tilespmem:s1+$0xDC10] =	vst v59  }
0xcf: {  	v63 =	vadd.f32 v56, v55;
	[tilespmem:s1+$0xDC20] =	vst v61  }
0xd0: {  	v5 =	vadd.f32 v58, v57;
	[tilespmem:s1+$0xDC30] =	vst v11  }
0xd1: {  	v3 =	vadd.f32 v60, v3;
	[tilespmem:s1+$0xDC40] =	vst v63  }
0xd2: {  	v2 =	vadd.f32 v2, v9;
	[tilespmem:s1+$0xDC50] =	vst v5  }
0xd3: {  	s0 =	sadd.s32 $0x1, s0;
	[tilespmem:s1+$0xDC60] =	vst v3;
	v1 =	vadd.f32 v62, v1  }
0xd4: {  	s29 =	sadd.s32 s7, s8;
	p2 =	sne.s32 s0, $0xC;
	[tilespmem:s10+$0xDC00] =	vst v2  }
.Ltmp4:
0xd5: {  	s31 =	simm.s32 $0x0;
	s4 =	simm.s32 $0xDC00;
	[tilespmem:s1+$0xDC00] =	vst v1;
	(pc) =	sbr.rel @p2 .LBB2_2-.Ltmp4, $4  }
0xd6: {  	[hbm4b:s29+s31] =	stream.linear.scatter [tilespmem:s4], [sflag:$0x5], $0x2800, $0x38;
	[tilespmem:$0x11E80] =	vst v63  }
0xd7: {  	_ =	swait.ge [sflag:s15], $0x2800  }
0xd8: {  	[sflag:s15] =	ssyncset.done $0x0  }
0xd9: {  	[sflag:s15] =	ssyncadd.s32 $0xFFFFD800  }
.Ltmp5:
0xda: {  	(pc) =	sbr.rel @!p0 .LBB2_8-.Ltmp5, $1  }
0xdb: {  	_ =	sdelay $0x3  }
0xdc: {  	s0 =	simm.s32 $0x0;
	s1 =	rddreg [dreg:$0x6]  }
0xdd: {  	[tilespmem:s17], [sflag:$0x5] =	stream.linear.gather [hbm4b:s1+s0], $0x500, $0x38;
	[tilespmem:$0x11E80] =	vst v63  }
0xde: {  	_ =	swait.ge [sflag:s15], $0x500  }
0xdf: {  	[sflag:s15] =	ssyncset.done $0x0  }
0xe0: {  	s13 =	rddreg [dreg:$0x7];
	[sflag:s15] =	ssyncadd.s32 $0xFFFFFB00  }
0xe1: {  	[tilespmem:s20], [sflag:$0x5] =	stream.linear.gather [hbm4b:s13+s0], $0x500, $0x38;
	[tilespmem:$0x11E80] =	vst v63  }
0xe2: {  	_ =	swait.ge [sflag:s15], $0x500  }
0xe3: {  	s25 =	simm.s32 $0x0;
	[sflag:s15] =	ssyncset.done $0x0  }
0xe4: {  	s1 =	sand.u32 $0xFFFFFF80, s25;
	[sflag:s15] =	ssyncadd.s32 $0xFFFFFB00  }
0xe5: {  	s3 =	sor.u32 $0x70, s1;
	s14 =	rddreg [dreg:$0x0]  }
0xe6: {  	[tilespmem:s21], [sflag:$0x3] =	stream.indirect.gather [hbm4b:s14+s17], $0x8, s17, s17, $0xb8;
	[tilespmem:$0x11E80] =	vst v63  }
0xe7: {  	s29 =	sor.u32 $0x10, s1;
	v1 =	vmov s3  }
0xe8: {  	v1 =	vshll.u32 v1, $0x3;
	[tilespmem:s22], [sflag:$0x4] =	stream.indirect.gather [hbm4b:s5+s17], $0x8, s20, s17, $0xb8;
	[tilespmem:$0x11E80] =	vst v63  }
0xe9: {  	v2 =	vmov s29;
	s0 =	sand.u32 $0x7, s0;
	v1 =	vor.u32 v0, v1;
	_ =	swait.ge [sflag:s26], $0x2800  }
0xea: {  	s31 =	sor.u32 $0x20, s1;
	v2 =	vshll.u32 v2, $0x3;
	v1 =	vor.u32 s0, v1;
	[sflag:s26] =	ssyncset.done $0x0  }
0xeb: {  	v3 =	vmov s31;
	v2 =	vor.u32 v0, v2;
	[sflag:s26] =	ssyncadd.s32 $0xFFFFD800  }
0xec: {  	s4 =	sor.u32 $0x30, s1;
	v3 =	vshll.u32 v3, $0x3;
	v2 =	vor.u32 s0, v2;
	_ =	swait.ge [sflag:s28], $0x2800  }
0xed: {  	s10 =	simm.s32 $0x10;
	v4 =	vmov s4;
	v3 =	vor.u32 v0, v3;
	[sflag:s28] =	ssyncset.done $0x0  }
0xee: {  	s8 =	sor.u32 $0x40, s1;
	s3 =	sand.u32 $0xFFFFFF80, s10;
	v4 =	vshll.u32 v4, $0x3;
	v3 =	vor.u32 s0, v3;
	[sflag:s28] =	ssyncadd.s32 $0xFFFFD800  }
0xef: {  	v5 =	vmov s8;
	s11 =	sor.u32 $0x70, s3;
	v4 =	vor.u32 v0, v4;
	v6 =	vld.idx.msk [tilespmem:v1+s21+$0x0], $0xffff  }
0xf0: {  	v5 =	vshll.u32 v5, $0x3;
	v11 =	vmov s11;
	v4 =	vor.u32 s0, v4;
	v1 =	vld.idx.msk [tilespmem:v1+s22+$0x0], $0xffff  }
0xf1: {  	s12 =	simm.s32 $0x1;
	v5 =	vor.u32 v0, v5;
	v11 =	vshll.u32 v11, $0x3;
	v8 =	vld.idx.msk [tilespmem:v2+s21+$0x0], $0xffff  }
0xf2: {  	s9 =	sor.u32 $0x50, s1;
	s8 =	sand.u32 $0x7, s12;
	v5 =	vor.u32 s0, v5;
	v11 =	vor.u32 v0, v11;
	v9 =	vld.idx.msk [tilespmem:v2+s22+$0x0], $0xffff  }
0xf3: {  	v7 =	vmov s9;
	v11 =	vor.u32 s8, v11;
	v10 =	vld.idx.msk [tilespmem:v3+s21+$0x0], $0xffff  }
0xf4: {  	v7 =	vshll.u32 v7, $0x3;
	s14 =	sor.u32 $0x20, s3;
	v12 =	vld.idx.msk [tilespmem:v3+s22+$0x0], $0xffff  }
0xf5: {  	v15 =	vmov s3;
	s25 =	sor.u32 $0x30, s3;
	v7 =	vor.u32 v0, v7;
	v16 =	vmov s14;
	v13 =	vld.idx.msk [tilespmem:v4+s21+$0x0], $0xffff  }
0xf6: {  	v18 =	vmov s25;
	v7 =	vor.u32 s0, v7;
	v16 =	vshll.u32 v16, $0x3;
	v4 =	vld.idx.msk [tilespmem:v4+s22+$0x0], $0xffff  }
0xf7: {  	s4 =	sor.u32 $0x60, s1;
	v15 =	vshll.u32 v15, $0x3;
	v18 =	vshll.u32 v18, $0x3;
	v16 =	vor.u32 v0, v16;
	v14 =	vld.idx.msk [tilespmem:v5+s21+$0x0], $0xffff  }
0xf8: {  	v18 =	vor.u32 v0, v18;
	v16 =	vor.u32 s8, v16;
	v2 =	vmov s4;
	v24 =	vld.idx.msk [tilespmem:v11+s21+$0x0], $0xffff  }
0xf9: {  	s29 =	sor.u32 $0x40, s3;
	v18 =	vor.u32 s8, v18;
	v3 =	vmov s1;
	v11 =	vld.idx.msk [tilespmem:v11+s22+$0x0], $0xffff;
	v2 =	vshll.u32 v2, $0x3  }
0xfa: {  	s31 =	sor.u32 $0x50, s3;
	s13 =	sor.u32 $0x10, s3;
	v19 =	vmov s29;
	s3 =	sor.u32 $0x60, s3;
	v5 =	vld.idx.msk [tilespmem:v5+s22+$0x0], $0xffff;
	v3 =	vshll.u32 v3, $0x3;
	v2 =	vor.u32 v0, v2  }
0xfb: {  	v21 =	vmov s3;
	v17 =	vld.idx.msk [tilespmem:v7+s21+$0x0], $0xffff;
	v3 =	vor.u32 v0, v3;
	v2 =	vor.u32 s0, v2  }
0xfc: {  	v7 =	vld.idx.msk [tilespmem:v7+s22+$0x0], $0xffff;
	s4 =	simm.s32 $0x20;
	v3 =	vor.u32 s0, v3;
	v6 =	vadd.f32 v1, v6;
	v1 =	vmov s13  }
0xfd: {  	v26 =	vld.idx.msk [tilespmem:v16+s22+$0x0], $0xffff;
	s1 =	sand.u32 $0xFFFFFF80, s4;
	v8 =	vadd.f32 v9, v8;
	v10 =	vadd.f32 v12, v10;
	v1 =	vshll.u32 v1, $0x3  }
0xfe: {  	s9 =	simm.s32 $0x0;
	v27 =	vld.idx.msk [tilespmem:v18+s21+$0x0], $0xffff;
	s10 =	sor.u32 $0x70, s1;
	v12 =	vmov s1;
	v24 =	vadd.f32 v11, v24;
	v1 =	vor.u32 v0, v1  }
0xff: {  	s3 =	sand.u32 $0x3FFFFC00, s9;
	v28 =	vld.idx.msk [tilespmem:v18+s22+$0x0], $0xffff;
	s0 =	sshll.u32 s0, $0x7;
	v11 =	vshll.u32 v12, $0x3;
	v12 =	vmov s10;
	v23 =	vor.u32 s8, v1  }
0x100: {  	v20 =	vmov s31;
	s9 =	simm.s32 $0x2;
	s0 =	sor.u32 s0, s3;
	v12 =	vshll.u32 v12, $0x3;
	v22 =	vld.idx.msk [tilespmem:v2+s21+$0x0], $0xffff;
	v1 =	vshll.u32 v19, $0x3  }
0x101: {  	s10 =	sand.u32 $0x7, s9;
	[tilespmem:s0+$0xDC10] =	vst v8;
	v19 =	vshll.u32 v20, $0x3;
	v20 =	vshll.u32 v21, $0x3;
	v21 =	vld.idx.msk [tilespmem:v2+s22+$0x0], $0xffff;
	v8 =	vor.u32 v0, v12  }
0x102: {  	v15 =	vor.u32 v0, v15;
	v2 =	vor.u32 v0, v1;
	v1 =	vld.idx.msk [tilespmem:v3+s21+$0x0], $0xffff;
	v18 =	vor.u32 s10, v8  }
0x103: {  	s12 =	sor.u32 $0x20, s1;
	v4 =	vadd.f32 v4, v13;
	v5 =	vadd.f32 v5, v14;
	v3 =	vld.idx.msk [tilespmem:v3+s22+$0x0], $0xffff;
	v25 =	vor.u32 s8, v2  }
0x104: {  	s25 =	sor.u32 $0x50, s1;
	v7 =	vadd.f32 v7, v17;
	v14 =	vmov s12;
	v19 =	vor.u32 v0, v19;
	v9 =	vld.idx.msk [tilespmem:v23+s21+$0x0], $0xffff  }
0x105: {  	s11 =	sor.u32 $0x10, s1;
	v17 =	vmov s25;
	v14 =	vshll.u32 v14, $0x3;
	v19 =	vor.u32 s8, v19;
	v13 =	vld.idx.msk [tilespmem:v23+s22+$0x0], $0xffff  }
0x106: {  	v17 =	vshll.u32 v17, $0x3;
	[tilespmem:s0+$0xDC70] =	vst v6;
	v6 =	vmov s11;
	v20 =	vor.u32 v0, v20;
	v23 =	vld.idx.msk [tilespmem:v16+s21+$0x0], $0xffff  }
0x107: {  	s14 =	sor.u32 $0x40, s1;
	v30 =	vor.u32 v0, v17;
	v2 =	vor.u32 s8, v15;
	v15 =	vor.u32 s8, v20;
	v17 =	vld.idx.msk [tilespmem:v18+s22+$0x0], $0xffff  }
0x108: {  	s13 =	sor.u32 $0x30, s1;
	s1 =	sor.u32 $0x60, s1;
	[tilespmem:s0+$0xDC20] =	vst v10;
	v63 =	vor.u32 v0, v14;
	v32 =	vor.u32 v0, v11;
	v12 =	vmov s14;
	v8 =	vld.idx.msk [tilespmem:v25+s21+$0x0], $0xffff  }
0x109: {  	[tilespmem:s0+$0xDC30] =	vst v4;
	v6 =	vshll.u32 v6, $0x3;
	v20 =	vmov s1;
	v16 =	vmov s13;
	v10 =	vld.idx.msk [tilespmem:v25+s22+$0x0], $0xffff  }
0x10a: {  	[tilespmem:s0+$0xDC40] =	vst v5;
	v5 =	vshll.u32 v20, $0x3;
	v4 =	vshll.u32 v16, $0x3;
	v16 =	vshll.u32 v12, $0x3;
	v12 =	vld.idx.msk [tilespmem:v19+s21+$0x0], $0xffff  }
0x10b: {  	v31 =	vor.u32 v0, v5;
	v21 =	vadd.f32 v21, v22;
	v22 =	vor.u32 v0, v6;
	v14 =	vld.idx.msk [tilespmem:v19+s22+$0x0], $0xffff  }
0x10c: {  	s29 =	simm.s32 $0x80;
	v5 =	vor.u32 s10, v30;
	v4 =	vor.u32 v0, v4;
	v6 =	vld.idx.msk [tilespmem:v15+s21+$0x0], $0xffff;
	v19 =	vor.u32 s10, v22  }
0x10d: {  	s31 =	sshll.u32 s8, $0x7;
	s1 =	sand.u32 $0x3FFFFC00, s29;
	v29 =	vor.u32 v0, v16;
	v16 =	vor.u32 s10, v63;
	v15 =	vld.idx.msk [tilespmem:v15+s22+$0x0], $0xffff;
	[tilespmem:s0+$0xDC60] =	vst v21;
	v21 =	vadd.f32 v28, v27  }
0x10e: {  	[tilespmem:s0+$0xDC50] =	vst v7;
	s8 =	sor.u32 s31, s1;
	v11 =	vor.u32 s10, v4;
	v7 =	vor.u32 s10, v29;
	v20 =	vadd.f32 v13, v9;
	v13 =	vld.idx.msk [tilespmem:v18+s21+$0x0], $0xffff  }
0x10f: {  	s12 =	simm.s32 $0x10;
	s11 =	simm.s32 $0x10;
	[tilespmem:s8+$0xDC70] =	vst v24;
	v4 =	vor.u32 s10, v31;
	v18 =	vor.u32 s10, v32;
	v9 =	vld.idx.msk [tilespmem:v2+s21+$0x0], $0xffff;
	v22 =	vadd.f32 v26, v23  }
.LBB2_13:
0x110: {  	s12 =	sadd.s32 $0x8, s12;
	v23 =	vld.idx.msk [tilespmem:v2+s22+$0x0], $0xffff;
	[tilespmem:s8+$0xDC10] =	vst v20;
	v8 =	vadd.f32 v10, v8;
	v10 =	vadd.f32 v14, v12;
	v2 =	vmov v18  }
0x111: {  	v12 =	vadd.f32 v3, v1;
	s1 =	sshll.u32 s12, $0x1;
	p2 =	slt.u32 s12, $0x278;
	v20 =	vld.idx.msk [tilespmem:v19+s21+$0x0], $0xffff;
	[tilespmem:s8+$0xDC20] =	vst v22  }
0x112: {  	s3 =	sshll.u32 s11, $0x4;
	s11 =	smov.u32 s12;
	s1 =	sand.u32 $0xFFFFFF80, s1;
	v22 =	vld.idx.msk [tilespmem:v19+s22+$0x0], $0xffff;
	[tilespmem:s8+$0xDC30] =	vst v21  }
0x113: {  	s10 =	sshll.u32 s10, $0x7;
	s3 =	sand.u32 $0x3FFFFC00, s3;
	v18 =	vadd.f32 v17, v13;
	v3 =	vmov s1;
	s4 =	sor.u32 $0x70, s1;
	v21 =	vld.idx.msk [tilespmem:v16+s21+$0x0], $0xffff;
	[tilespmem:s8+$0xDC40] =	vst v8  }
0x114: {  	s3 =	sor.u32 s10, s3;
	s13 =	sor.u32 $0x10, s1;
	s14 =	sor.u32 $0x20, s1;
	v6 =	vadd.f32 v15, v6;
	v13 =	vshll.u32 v3, $0x3;
	v17 =	vmov s4;
	v24 =	vld.idx.msk [tilespmem:v16+s22+$0x0], $0xffff;
	[tilespmem:s8+$0xDC50] =	vst v10  }
0x115: {  	s9 =	sadd.s32 $0x1, s9;
	v10 =	vmov s13;
	v14 =	vmov s14;
	s4 =	sor.u32 $0x30, s1;
	s13 =	sor.u32 $0x40, s1;
	v1 =	vmovc v9;
	v8 =	vshll.u32 v17, $0x3;
	v25 =	vld.idx.msk [tilespmem:v11+s21+$0x0], $0xffff;
	[tilespmem:s3+$0xDC70] =	vst v18  }
0x116: {  	s10 =	sand.u32 $0x7, s9;
	v9 =	vmov s4;
	v15 =	vmov s13;
	s4 =	sor.u32 $0x50, s1;
	s1 =	sor.u32 $0x60, s1;
	v8 =	vor.u32 v0, v8;
	v26 =	vld.idx.msk [tilespmem:v11+s22+$0x0], $0xffff;
	[tilespmem:s8+$0xDC60] =	vst v6;
	v3 =	vmovc v23  }
0x117: {  	v6 =	vmov s4;
	v11 =	vmov s1;
	v17 =	vor.u32 s10, v8;
	v8 =	vld.idx.msk [tilespmem:v7+s21+$0x0], $0xffff  }
0x118: {  	v16 =	vshll.u32 v10, $0x3;
	v14 =	vshll.u32 v14, $0x3;
	v9 =	vshll.u32 v9, $0x3;
	v10 =	vld.idx.msk [tilespmem:v7+s22+$0x0], $0xffff;
	[tilespmem:s0+$0xDC00] =	vst v12;
	s0 =	smov.u32 s8;
	s8 =	smov.u32 s3  }
0x119: {  	v6 =	vshll.u32 v6, $0x3;
	v11 =	vshll.u32 v11, $0x3;
	v7 =	vshll.u32 v15, $0x3;
	v12 =	vld.idx.msk [tilespmem:v5+s21+$0x0], $0xffff  }
0x11a: {  	v9 =	vor.u32 v0, v9;
	v15 =	vor.u32 v0, v16;
	v16 =	vor.u32 v0, v14;
	v14 =	vld.idx.msk [tilespmem:v5+s22+$0x0], $0xffff  }
.Ltmp6:
0x11b: {  	v18 =	vor.u32 v0, v6;
	v23 =	vor.u32 v0, v11;
	v5 =	vor.u32 v0, v7;
	v6 =	vld.idx.msk [tilespmem:v4+s21+$0x0], $0xffff;
	(pc) =	sbr.rel @p2 .LBB2_13-.Ltmp6, $4  }
0x11c: {  	v27 =	vor.u32 v0, v13;
	v19 =	vor.u32 s10, v15;
	v16 =	vor.u32 s10, v16;
	v13 =	vld.idx.msk [tilespmem:v17+s21+$0x0], $0xffff  }
0x11d: {  	v11 =	vor.u32 s10, v9;
	v7 =	vor.u32 s10, v5;
	v5 =	vor.u32 s10, v18;
	v17 =	vld.idx.msk [tilespmem:v17+s22+$0x0], $0xffff  }
0x11e: {  	v20 =	vadd.f32 v22, v20;
	v18 =	vor.u32 s10, v27;
	v15 =	vld.idx.msk [tilespmem:v4+s22+$0x0], $0xffff;
	v4 =	vor.u32 s10, v23  }
0x11f: {  	v22 =	vadd.f32 v24, v21;
	v21 =	vadd.f32 v26, v25;
	v9 =	vld.idx.msk [tilespmem:v2+s21+$0x0], $0xffff  }
0x120: {  	_ =	sdelay $0x3  }
0x121: {  	v2 =	vld.idx.msk [tilespmem:v2+s22+$0x0], $0xffff  }
0x122: {  	v23 =	vld.idx.msk [tilespmem:v19+s21+$0x0], $0xffff  }
0x123: {  	v52 =	vld.idx.msk [tilespmem:v19+s22+$0x0], $0xffff  }
0x124: {  	v24 =	vld.idx.msk [tilespmem:v16+s21+$0x0], $0xffff  }
0x125: {  	v53 =	vld.idx.msk [tilespmem:v16+s22+$0x0], $0xffff  }
0x126: {  	v25 =	vld.idx.msk [tilespmem:v11+s21+$0x0], $0xffff  }
0x127: {  	[tilespmem:s8+$0xDC10] =	vst v20;
	v54 =	vld.idx.msk [tilespmem:v11+s22+$0x0], $0xffff  }
0x128: {  	v8 =	vadd.f32 v10, v8;
	v55 =	vld.idx.msk [tilespmem:v7+s21+$0x0], $0xffff;
	[tilespmem:s8+$0xDC20] =	vst v22  }
0x129: {  	v12 =	vadd.f32 v14, v12;
	v56 =	vld.idx.msk [tilespmem:v7+s22+$0x0], $0xffff;
	[tilespmem:s8+$0xDC30] =	vst v21  }
0x12a: {  	s1 =	sshll.u32 s11, $0x4;
	v57 =	vld.idx.msk [tilespmem:v5+s21+$0x0], $0xffff;
	v1 =	vadd.f32 v3, v1;
	[tilespmem:s8+$0xDC40] =	vst v8  }
0x12b: {  	s3 =	sshll.u32 s10, $0x7;
	v58 =	vld.idx.msk [tilespmem:v5+s22+$0x0], $0xffff;
	s1 =	sand.u32 $0x3FFFFC00, s1;
	v13 =	vadd.f32 v17, v13;
	[tilespmem:s8+$0xDC50] =	vst v12  }
0x12c: {  	v3 =	vld.idx.msk [tilespmem:v4+s21+$0x0], $0xffff;
	s1 =	sor.u32 s3, s1;
	[tilespmem:s0+$0xDC00] =	vst v1;
	v6 =	vadd.f32 v15, v6  }
0x12d: {  	v60 =	vld.idx.msk [tilespmem:v4+s22+$0x0], $0xffff;
	[tilespmem:s1+$0xDC70] =	vst v13;
	v59 =	vadd.f32 v52, v23  }
0x12e: {  	v62 =	vld.idx.msk [tilespmem:v18+s22+$0x0], $0xffff;
	[tilespmem:s8+$0xDC60] =	vst v6;
	v61 =	vadd.f32 v53, v24  }
0x12f: {  	v1 =	vld.idx.msk [tilespmem:v18+s21+$0x0], $0xffff;
	v11 =	vadd.f32 v54, v25;
	[tilespmem:s1+$0xDC10] =	vst v59  }
0x130: {  	v63 =	vadd.f32 v56, v55;
	[tilespmem:s1+$0xDC20] =	vst v61  }
0x131: {  	v5 =	vadd.f32 v58, v57;
	[tilespmem:s1+$0xDC30] =	vst v11  }
0x132: {  	v3 =	vadd.f32 v60, v3;
	[tilespmem:s1+$0xDC40] =	vst v63  }
0x133: {  	v2 =	vadd.f32 v2, v9;
	[tilespmem:s1+$0xDC50] =	vst v5  }
0x134: {  	[tilespmem:s1+$0xDC60] =	vst v3;
	v1 =	vadd.f32 v62, v1  }
0x135: {  	[tilespmem:s8+$0xDC00] =	vst v2  }
0x136: {  	s29 =	simm.s32 $0x0;
	[tilespmem:s1+$0xDC00] =	vst v1  }
.Ltmp7:
0x137: {  	s31 =	simm.s32 $0xDC00;
	s1 =	rddreg [dreg:$0x8];
	(pc) =	sbr.rel .LBB2_15-.Ltmp7, $4  }
0x138: {  	[hbm4b:s1+s29] =	stream.linear.scatter [tilespmem:s31], [sflag:$0x5], $0x2800, $0x38;
	[tilespmem:$0x11E80] =	vst v63  }
0x139: {  	_ =	swait.ge [sflag:s15], $0x2800  }
0x13a: {  	[sflag:s15] =	ssyncset.done $0x0  }
0x13b: {  	s1 =	rddreg [dreg:$0xa];
	[sflag:s15] =	ssyncadd.s32 $0xFFFFD800  }
.LBB2_8:
.Ltmp8:
0x13c: {  	(pc) =	sbr.rel @p1 .LBB2_15-.Ltmp8, $2  }
0x13d: {  	_ =	sdelay $0x2  }
0x13e: {  	s1 =	rddreg [dreg:$0xa]  }
0x13f: {  	s0 =	simm.s32 $0x0;
	s1 =	rddreg [dreg:$0x3];
	s3 =	simm.s32 $0x10400  }
0x140: {  	[tilespmem:s3], [sflag:$0x5] =	stream.linear.gather [hbm4b:s1+s0], $0x140, $0x38;
	[tilespmem:$0x11E80] =	vst v63  }
0x141: {  	_ =	swait.ge [sflag:s15], $0x140  }
0x142: {  	[sflag:s15] =	ssyncset.done $0x0  }
0x143: {  	s4 =	simm.s32 $0x10540;
	s11 =	rddreg [dreg:$0x4];
	[sflag:s15] =	ssyncadd.s32 $0xFFFFFEC0  }
0x144: {  	[tilespmem:s4], [sflag:$0x5] =	stream.linear.gather [hbm4b:s11+s0], $0x140, $0x38;
	[tilespmem:$0x11E80] =	vst v63  }
0x145: {  	_ =	swait.ge [sflag:s15], $0x140  }
0x146: {  	s13 =	simm.s32 $0x0;
	[sflag:s15] =	ssyncset.done $0x0  }
0x147: {  	s1 =	sand.u32 $0xFFFFFF80, s13;
	[sflag:s15] =	ssyncadd.s32 $0xFFFFFEC0  }
0x148: {  	s8 =	simm.s32 $0x140;
	s14 =	sor.u32 $0x70, s1;
	s12 =	rddreg [dreg:$0x0]  }
0x149: {  	[tilespmem:s2], [sflag:$0x1] =	stream.indirect.gather [hbm4b:s12+s8], $0x8, s3, s8, $0xb8;
	[tilespmem:$0x11E80] =	vst v63  }
0x14a: {  	s25 =	sor.u32 $0x10, s1;
	v1 =	vmov s14  }
0x14b: {  	v1 =	vshll.u32 v1, $0x3;
	[tilespmem:s30], [sflag:$0x2] =	stream.indirect.gather [hbm4b:s5+s8], $0x8, s4, s8, $0xb8;
	[tilespmem:$0x11E80] =	vst v63  }
0x14c: {  	v2 =	vmov s25;
	s0 =	sand.u32 $0x7, s0;
	v1 =	vor.u32 v0, v1;
	_ =	swait.ge [sflag:s23], $0xA00  }
0x14d: {  	s29 =	sor.u32 $0x20, s1;
	v2 =	vshll.u32 v2, $0x3;
	v1 =	vor.u32 s0, v1;
	[sflag:s23] =	ssyncset.done $0x0  }
0x14e: {  	v3 =	vmov s29;
	v2 =	vor.u32 v0, v2;
	[sflag:s23] =	ssyncadd.s32 $0xFFFFF600  }
0x14f: {  	s9 =	simm.s32 $0x10;
	s31 =	sor.u32 $0x30, s1;
	v3 =	vshll.u32 v3, $0x3;
	v2 =	vor.u32 s0, v2;
	_ =	swait.ge [sflag:s24], $0xA00  }
0x150: {  	v4 =	vmov s31;
	v3 =	vor.u32 v0, v3;
	s3 =	sand.u32 $0xFFFFFF80, s9;
	[sflag:s24] =	ssyncset.done $0x0  }
0x151: {  	v4 =	vshll.u32 v4, $0x3;
	v3 =	vor.u32 s0, v3;
	s11 =	sor.u32 $0x70, s3;
	[sflag:s24] =	ssyncadd.s32 $0xFFFFF600  }
0x152: {  	v4 =	vor.u32 v0, v4;
	v11 =	vmov s11;
	v6 =	vld.idx.msk [tilespmem:v1+s2+$0x0], $0xffff  }
0x153: {  	v4 =	vor.u32 s0, v4;
	s12 =	simm.s32 $0x1;
	s14 =	sor.u32 $0x20, s3;
	s8 =	sor.u32 $0x50, s1;
	v11 =	vshll.u32 v11, $0x3;
	v1 =	vld.idx.msk [tilespmem:v1+s30+$0x0], $0xffff  }
0x154: {  	s25 =	sor.u32 $0x30, s3;
	v16 =	vmov s14;
	v7 =	vmov s8;
	s8 =	sand.u32 $0x7, s12;
	v11 =	vor.u32 v0, v11;
	v8 =	vld.idx.msk [tilespmem:v2+s2+$0x0], $0xffff  }
0x155: {  	v18 =	vmov s25;
	v16 =	vshll.u32 v16, $0x3;
	v11 =	vor.u32 s8, v11;
	v9 =	vld.idx.msk [tilespmem:v2+s30+$0x0], $0xffff  }
0x156: {  	s4 =	sor.u32 $0x40, s1;
	v18 =	vshll.u32 v18, $0x3;
	v16 =	vor.u32 v0, v16;
	v10 =	vld.idx.msk [tilespmem:v3+s2+$0x0], $0xffff  }
0x157: {  	v5 =	vmov s4;
	v18 =	vor.u32 v0, v18;
	v16 =	vor.u32 s8, v16;
	v12 =	vld.idx.msk [tilespmem:v3+s30+$0x0], $0xffff  }
0x158: {  	v5 =	vshll.u32 v5, $0x3;
	v18 =	vor.u32 s8, v18;
	v13 =	vld.idx.msk [tilespmem:v4+s2+$0x0], $0xffff  }
0x159: {  	v5 =	vor.u32 v0, v5;
	v4 =	vld.idx.msk [tilespmem:v4+s30+$0x0], $0xffff  }
0x15a: {  	s10 =	sor.u32 $0x60, s1;
	v15 =	vmov s3;
	v7 =	vshll.u32 v7, $0x3;
	v5 =	vor.u32 s0, v5;
	v24 =	vld.idx.msk [tilespmem:v11+s2+$0x0], $0xffff  }
0x15b: {  	v15 =	vshll.u32 v15, $0x3;
	v7 =	vor.u32 v0, v7;
	v2 =	vmov s10;
	v11 =	vld.idx.msk [tilespmem:v11+s30+$0x0], $0xffff  }
0x15c: {  	s29 =	sor.u32 $0x40, s3;
	v7 =	vor.u32 s0, v7;
	v3 =	vmov s1;
	v2 =	vshll.u32 v2, $0x3;
	v26 =	vld.idx.msk [tilespmem:v16+s30+$0x0], $0xffff  }
0x15d: {  	s13 =	sor.u32 $0x10, s3;
	s31 =	sor.u32 $0x50, s3;
	s3 =	sor.u32 $0x60, s3;
	v19 =	vmov s29;
	v3 =	vshll.u32 v3, $0x3;
	v27 =	vld.idx.msk [tilespmem:v18+s2+$0x0], $0xffff;
	v2 =	vor.u32 v0, v2  }
0x15e: {  	v21 =	vmov s3;
	v28 =	vld.idx.msk [tilespmem:v18+s30+$0x0], $0xffff;
	v3 =	vor.u32 v0, v3;
	v2 =	vor.u32 s0, v2  }
0x15f: {  	s4 =	simm.s32 $0x20;
	v14 =	vld.idx.msk [tilespmem:v5+s2+$0x0], $0xffff;
	v3 =	vor.u32 s0, v3;
	v6 =	vadd.f32 v1, v6;
	v1 =	vmov s13  }
0x160: {  	s1 =	sand.u32 $0xFFFFFF80, s4;
	v5 =	vld.idx.msk [tilespmem:v5+s30+$0x0], $0xffff;
	v8 =	vadd.f32 v9, v8;
	v10 =	vadd.f32 v12, v10;
	v1 =	vshll.u32 v1, $0x3  }
0x161: {  	s9 =	simm.s32 $0x0;
	s10 =	sor.u32 $0x70, s1;
	v17 =	vld.idx.msk [tilespmem:v7+s2+$0x0], $0xffff;
	v12 =	vmov s1;
	v24 =	vadd.f32 v11, v24;
	v1 =	vor.u32 v0, v1  }
0x162: {  	s3 =	sand.u32 $0x3FFFFC00, s9;
	v7 =	vld.idx.msk [tilespmem:v7+s30+$0x0], $0xffff;
	s0 =	sshll.u32 s0, $0x7;
	v11 =	vshll.u32 v12, $0x3;
	v12 =	vmov s10;
	v23 =	vor.u32 s8, v1  }
0x163: {  	v20 =	vmov s31;
	s9 =	simm.s32 $0x2;
	s0 =	sor.u32 s0, s3;
	v12 =	vshll.u32 v12, $0x3;
	v22 =	vld.idx.msk [tilespmem:v2+s2+$0x0], $0xffff;
	v1 =	vshll.u32 v19, $0x3  }
0x164: {  	s10 =	sand.u32 $0x7, s9;
	[tilespmem:s0+$0xB410] =	vst v8;
	v19 =	vshll.u32 v20, $0x3;
	v20 =	vshll.u32 v21, $0x3;
	v21 =	vld.idx.msk [tilespmem:v2+s30+$0x0], $0xffff;
	v8 =	vor.u32 v0, v12  }
0x165: {  	v15 =	vor.u32 v0, v15;
	v2 =	vor.u32 v0, v1;
	v1 =	vld.idx.msk [tilespmem:v3+s2+$0x0], $0xffff;
	v18 =	vor.u32 s10, v8  }
0x166: {  	s11 =	sor.u32 $0x10, s1;
	v4 =	vadd.f32 v4, v13;
	v5 =	vadd.f32 v5, v14;
	v3 =	vld.idx.msk [tilespmem:v3+s30+$0x0], $0xffff;
	v25 =	vor.u32 s8, v2  }
0x167: {  	s12 =	sor.u32 $0x20, s1;
	s25 =	sor.u32 $0x50, s1;
	v7 =	vadd.f32 v7, v17;
	[tilespmem:s0+$0xB470] =	vst v6;
	v6 =	vmov s11;
	v19 =	vor.u32 v0, v19;
	v9 =	vld.idx.msk [tilespmem:v23+s2+$0x0], $0xffff  }
0x168: {  	v14 =	vmov s12;
	v17 =	vmov s25;
	v19 =	vor.u32 s8, v19;
	v13 =	vld.idx.msk [tilespmem:v23+s30+$0x0], $0xffff  }
0x169: {  	v32 =	vor.u32 v0, v11;
	v17 =	vshll.u32 v17, $0x3;
	v20 =	vor.u32 v0, v20;
	v23 =	vld.idx.msk [tilespmem:v16+s2+$0x0], $0xffff  }
0x16a: {  	s14 =	sor.u32 $0x40, s1;
	v30 =	vor.u32 v0, v17;
	v2 =	vor.u32 s8, v15;
	v15 =	vor.u32 s8, v20;
	v17 =	vld.idx.msk [tilespmem:v18+s30+$0x0], $0xffff  }
0x16b: {  	s13 =	sor.u32 $0x30, s1;
	s1 =	sor.u32 $0x60, s1;
	[tilespmem:s0+$0xB420] =	vst v10;
	v12 =	vmov s14;
	v6 =	vshll.u32 v6, $0x3;
	v14 =	vshll.u32 v14, $0x3;
	v8 =	vld.idx.msk [tilespmem:v25+s2+$0x0], $0xffff  }
0x16c: {  	[tilespmem:s0+$0xB430] =	vst v4;
	v63 =	vor.u32 v0, v14;
	v20 =	vmov s1;
	v16 =	vmov s13;
	v10 =	vld.idx.msk [tilespmem:v25+s30+$0x0], $0xffff  }
0x16d: {  	[tilespmem:s0+$0xB440] =	vst v5;
	v5 =	vshll.u32 v20, $0x3;
	v4 =	vshll.u32 v16, $0x3;
	v16 =	vshll.u32 v12, $0x3;
	v12 =	vld.idx.msk [tilespmem:v19+s2+$0x0], $0xffff  }
0x16e: {  	v31 =	vor.u32 v0, v5;
	v21 =	vadd.f32 v21, v22;
	v22 =	vor.u32 v0, v6;
	v14 =	vld.idx.msk [tilespmem:v19+s30+$0x0], $0xffff  }
0x16f: {  	s29 =	simm.s32 $0x80;
	v5 =	vor.u32 s10, v30;
	v4 =	vor.u32 v0, v4;
	v6 =	vld.idx.msk [tilespmem:v15+s2+$0x0], $0xffff;
	v19 =	vor.u32 s10, v22  }
0x170: {  	s31 =	sshll.u32 s8, $0x7;
	s1 =	sand.u32 $0x3FFFFC00, s29;
	v29 =	vor.u32 v0, v16;
	v16 =	vor.u32 s10, v63;
	v15 =	vld.idx.msk [tilespmem:v15+s30+$0x0], $0xffff;
	[tilespmem:s0+$0xB460] =	vst v21;
	v21 =	vadd.f32 v28, v27  }
0x171: {  	[tilespmem:s0+$0xB450] =	vst v7;
	s8 =	sor.u32 s31, s1;
	v11 =	vor.u32 s10, v4;
	v7 =	vor.u32 s10, v29;
	v20 =	vadd.f32 v13, v9;
	v13 =	vld.idx.msk [tilespmem:v18+s2+$0x0], $0xffff  }
0x172: {  	s12 =	simm.s32 $0x10;
	s11 =	simm.s32 $0x10;
	[tilespmem:s8+$0xB470] =	vst v24;
	v4 =	vor.u32 s10, v31;
	v18 =	vor.u32 s10, v32;
	v9 =	vld.idx.msk [tilespmem:v2+s2+$0x0], $0xffff;
	v22 =	vadd.f32 v26, v23  }
.LBB2_10:
0x173: {  	s12 =	sadd.s32 $0x8, s12;
	v23 =	vld.idx.msk [tilespmem:v2+s30+$0x0], $0xffff;
	[tilespmem:s8+$0xB410] =	vst v20;
	v8 =	vadd.f32 v10, v8;
	v10 =	vadd.f32 v14, v12;
	v2 =	vmov v18  }
0x174: {  	v12 =	vadd.f32 v3, v1;
	s1 =	sshll.u32 s12, $0x1;
	p2 =	slt.u32 s12, $0xB8;
	v20 =	vld.idx.msk [tilespmem:v19+s2+$0x0], $0xffff;
	[tilespmem:s8+$0xB420] =	vst v22  }
0x175: {  	s3 =	sshll.u32 s11, $0x4;
	s11 =	smov.u32 s12;
	s1 =	sand.u32 $0xFFFFFF80, s1;
	v22 =	vld.idx.msk [tilespmem:v19+s30+$0x0], $0xffff;
	[tilespmem:s8+$0xB430] =	vst v21  }
0x176: {  	s10 =	sshll.u32 s10, $0x7;
	s3 =	sand.u32 $0x3FFFFC00, s3;
	v18 =	vadd.f32 v17, v13;
	v3 =	vmov s1;
	s4 =	sor.u32 $0x70, s1;
	v21 =	vld.idx.msk [tilespmem:v16+s2+$0x0], $0xffff;
	[tilespmem:s8+$0xB440] =	vst v8  }
0x177: {  	s3 =	sor.u32 s10, s3;
	s13 =	sor.u32 $0x10, s1;
	s14 =	sor.u32 $0x20, s1;
	v6 =	vadd.f32 v15, v6;
	v13 =	vshll.u32 v3, $0x3;
	v17 =	vmov s4;
	v24 =	vld.idx.msk [tilespmem:v16+s30+$0x0], $0xffff;
	[tilespmem:s8+$0xB450] =	vst v10  }
0x178: {  	s9 =	sadd.s32 $0x1, s9;
	v10 =	vmov s13;
	v14 =	vmov s14;
	s4 =	sor.u32 $0x30, s1;
	s13 =	sor.u32 $0x40, s1;
	v1 =	vmovc v9;
	v8 =	vshll.u32 v17, $0x3;
	v25 =	vld.idx.msk [tilespmem:v11+s2+$0x0], $0xffff;
	[tilespmem:s3+$0xB470] =	vst v18  }
0x179: {  	s10 =	sand.u32 $0x7, s9;
	v9 =	vmov s4;
	v15 =	vmov s13;
	s4 =	sor.u32 $0x50, s1;
	s1 =	sor.u32 $0x60, s1;
	v8 =	vor.u32 v0, v8;
	v26 =	vld.idx.msk [tilespmem:v11+s30+$0x0], $0xffff;
	[tilespmem:s8+$0xB460] =	vst v6;
	v3 =	vmovc v23  }
0x17a: {  	v6 =	vmov s4;
	v11 =	vmov s1;
	v17 =	vor.u32 s10, v8;
	v8 =	vld.idx.msk [tilespmem:v7+s2+$0x0], $0xffff  }
0x17b: {  	v16 =	vshll.u32 v10, $0x3;
	v14 =	vshll.u32 v14, $0x3;
	v9 =	vshll.u32 v9, $0x3;
	v10 =	vld.idx.msk [tilespmem:v7+s30+$0x0], $0xffff;
	[tilespmem:s0+$0xB400] =	vst v12;
	s0 =	smov.u32 s8;
	s8 =	smov.u32 s3  }
0x17c: {  	v6 =	vshll.u32 v6, $0x3;
	v11 =	vshll.u32 v11, $0x3;
	v7 =	vshll.u32 v15, $0x3;
	v12 =	vld.idx.msk [tilespmem:v5+s2+$0x0], $0xffff  }
0x17d: {  	v9 =	vor.u32 v0, v9;
	v15 =	vor.u32 v0, v16;
	v16 =	vor.u32 v0, v14;
	v14 =	vld.idx.msk [tilespmem:v5+s30+$0x0], $0xffff  }
.Ltmp9:
0x17e: {  	v18 =	vor.u32 v0, v6;
	v23 =	vor.u32 v0, v11;
	v5 =	vor.u32 v0, v7;
	v6 =	vld.idx.msk [tilespmem:v4+s2+$0x0], $0xffff;
	(pc) =	sbr.rel @p2 .LBB2_10-.Ltmp9, $4  }
0x17f: {  	v27 =	vor.u32 v0, v13;
	v19 =	vor.u32 s10, v15;
	v16 =	vor.u32 s10, v16;
	v13 =	vld.idx.msk [tilespmem:v17+s2+$0x0], $0xffff  }
0x180: {  	v11 =	vor.u32 s10, v9;
	v7 =	vor.u32 s10, v5;
	v5 =	vor.u32 s10, v18;
	v17 =	vld.idx.msk [tilespmem:v17+s30+$0x0], $0xffff  }
0x181: {  	v20 =	vadd.f32 v22, v20;
	v18 =	vor.u32 s10, v27;
	v15 =	vld.idx.msk [tilespmem:v4+s30+$0x0], $0xffff;
	v4 =	vor.u32 s10, v23  }
0x182: {  	v22 =	vadd.f32 v24, v21;
	v21 =	vadd.f32 v26, v25;
	v9 =	vld.idx.msk [tilespmem:v2+s2+$0x0], $0xffff  }
0x183: {  	_ =	sdelay $0x3  }
0x184: {  	v2 =	vld.idx.msk [tilespmem:v2+s30+$0x0], $0xffff  }
0x185: {  	v23 =	vld.idx.msk [tilespmem:v19+s2+$0x0], $0xffff  }
0x186: {  	v52 =	vld.idx.msk [tilespmem:v19+s30+$0x0], $0xffff  }
0x187: {  	v24 =	vld.idx.msk [tilespmem:v16+s2+$0x0], $0xffff  }
0x188: {  	v53 =	vld.idx.msk [tilespmem:v16+s30+$0x0], $0xffff  }
0x189: {  	v25 =	vld.idx.msk [tilespmem:v11+s2+$0x0], $0xffff  }
0x18a: {  	[tilespmem:s8+$0xB410] =	vst v20;
	v54 =	vld.idx.msk [tilespmem:v11+s30+$0x0], $0xffff  }
0x18b: {  	v8 =	vadd.f32 v10, v8;
	v55 =	vld.idx.msk [tilespmem:v7+s2+$0x0], $0xffff;
	[tilespmem:s8+$0xB420] =	vst v22  }
0x18c: {  	v12 =	vadd.f32 v14, v12;
	v56 =	vld.idx.msk [tilespmem:v7+s30+$0x0], $0xffff;
	[tilespmem:s8+$0xB430] =	vst v21  }
0x18d: {  	s1 =	sshll.u32 s11, $0x4;
	v57 =	vld.idx.msk [tilespmem:v5+s2+$0x0], $0xffff;
	v1 =	vadd.f32 v3, v1;
	[tilespmem:s8+$0xB440] =	vst v8  }
0x18e: {  	s3 =	sshll.u32 s10, $0x7;
	v58 =	vld.idx.msk [tilespmem:v5+s30+$0x0], $0xffff;
	s1 =	sand.u32 $0x3FFFFC00, s1;
	v13 =	vadd.f32 v17, v13;
	[tilespmem:s8+$0xB450] =	vst v12  }
0x18f: {  	v3 =	vld.idx.msk [tilespmem:v4+s2+$0x0], $0xffff;
	s1 =	sor.u32 s3, s1;
	[tilespmem:s0+$0xB400] =	vst v1;
	v6 =	vadd.f32 v15, v6  }
0x190: {  	v60 =	vld.idx.msk [tilespmem:v4+s30+$0x0], $0xffff;
	[tilespmem:s1+$0xB470] =	vst v13;
	v59 =	vadd.f32 v52, v23  }
0x191: {  	v62 =	vld.idx.msk [tilespmem:v18+s30+$0x0], $0xffff;
	[tilespmem:s8+$0xB460] =	vst v6;
	v61 =	vadd.f32 v53, v24  }
0x192: {  	v1 =	vld.idx.msk [tilespmem:v18+s2+$0x0], $0xffff;
	v11 =	vadd.f32 v54, v25;
	[tilespmem:s1+$0xB410] =	vst v59  }
0x193: {  	v63 =	vadd.f32 v56, v55;
	[tilespmem:s1+$0xB420] =	vst v61  }
0x194: {  	v5 =	vadd.f32 v58, v57;
	[tilespmem:s1+$0xB430] =	vst v11  }
0x195: {  	v3 =	vadd.f32 v60, v3;
	[tilespmem:s1+$0xB440] =	vst v63  }
0x196: {  	v2 =	vadd.f32 v2, v9;
	[tilespmem:s1+$0xB450] =	vst v5  }
0x197: {  	[tilespmem:s1+$0xB460] =	vst v3;
	v1 =	vadd.f32 v62, v1  }
0x198: {  	[tilespmem:s8+$0xB400] =	vst v2  }
0x199: {  	s29 =	simm.s32 $0x0;
	[tilespmem:s1+$0xB400] =	vst v1  }
.Ltmp10:
0x19a: {  	s31 =	simm.s32 $0xB400;
	s1 =	rddreg [dreg:$0x5];
	(pc) =	sbr.rel .LBB2_15-.Ltmp10, $4  }
0x19b: {  	[hbm4b:s1+s29] =	stream.linear.scatter [tilespmem:s31], [sflag:$0x5], $0xC00, $0x38;
	[tilespmem:$0x11E80] =	vst v63  }
0x19c: {  	_ =	swait.ge [sflag:s15], $0xC00  }
0x19d: {  	[sflag:s15] =	ssyncset.done $0x0  }
0x19e: {  	s1 =	rddreg [dreg:$0xa];
	[sflag:s15] =	ssyncadd.s32 $0xFFFFF400  }
.LBB2_16:
0x19f: {  	_ =	sfence.sel $0x180000  }
0x1a0: {  	[bflag:$0x0] =	sbarrier.arrive $0xFFFF  }
0x1a1: {  	_ =	strace $0x90000047  }
0x1a2: {  	s0 =	stileid.u32;
	[bflag:$0x2] =	sbarrier.arrive $0xFFFF  }
0x1a3: {  	p0 =	sne.s32 s0, $0x0;
	s0 =	rddreg [dreg:$0x2]  }
0x1a4: {  	s0 =	sadd.s32 @!p0 $0x100000, s0  }
0x1a5: {  	[sflag:s0] =	ssyncadd.tile.s32 @!p0 $0x1;
	_ =	shalt  }
.Lfunc_end2:
_tile_overlayer_lowered:
.L_overlay_start_2:
0x1a6: {  	(tag) =	ssettag $0x2  }
0x1a7: {  	s0 =	rddreg [dreg:$0x0];
	s2 =	stileid.u32  }
0x1a8: {  	s1 =	rddreg [dreg:$0x1];
	p0 =	sne.s32 s2, $0x0  }
0x1a9: {  	s3 =	rddreg [dreg:$0x2];
	[bflag:$0x3] =	sbarrier.arrive $0xFFFF;
	s2 =	simm.s32 @!p0 $0x1C05  }
0x1aa: {  	[timem:s3], [sflag:s2] =	dma.local @!p0 [hbm:s0], s1  }
0x1ab: {  	s0 =	simm.s32 @!p0 $0x5  }
0x1ac: {  	_ =	swait.ge @!p0 [sflag:s0], s1  }
0x1ad: {  	s1 =	ssub.s32 @!p0 $0x0, s1;
	[sflag:s0] =	ssyncset.done @!p0 $0x0  }
0x1ae: {  	[sflag:s0] =	ssyncadd.s32 @!p0 s1  }
0x1af: {  	[bflag:$0x3] =	sbarrier.arrive $0xFFFF  }
0x1b0: {  	_ =	shalt  }

</sc_bundles>
